<compile_context>
chip_gen: v7x
topology: tpu7x:2x2x1
jax: 0.10.2.dev20260603
libtpu: 0.0.44.dev20260713+nightly
codegen_flags: <defaults>
</compile_context>

<pallas_src>
import functools

import jax
import jax.numpy as jnp
from jax import lax
from jax.experimental import pallas as pl
from jax.experimental.pallas import tpu as pltpu
from jax.experimental.pallas import tpu_sc as plsc

B, S = 1024, 200
NPOS = B * S
HD = 64
NC, NS = 2, 16
NW = NC * NS
PER_W = NPOS // NW
CH = 128
NHALF = 1
HALF = NPOS // NHALF
PER_WH = HALF // NW
NCHUNK = PER_WH // CH
NT, NQ, NG = 1540, 9456, 914

_f32 = jnp.float32
_dot = functools.partial(jnp.dot, preferred_element_type=_f32)
_DNT = (((0,), (0,)), ((), ()))


def _proj_body(et2, eq2, eg2, e3, e10, wt2, wq2, wg2, w3, w10,
               pt2, pq2, pg2, p3, p10):
    pt2[...] = _dot(et2[...], wt2[...])
    pq2[...] = _dot(eq2[...], wq2[...])
    pg2[...] = _dot(eg2[...], wg2[...])
    p3[...] = _dot(e3[...], w3[...])
    p10[...] = _dot(e10[...], w10[...])


def _project_tables(emb_test, emb_question, emb_tag, emb_int, emb_tt, comb_W):
    et2 = jnp.concatenate(
        [emb_test, jnp.zeros((1, 21), _f32)], axis=0).reshape(NT // 2, 42)
    eq2 = emb_question.reshape(NQ // 2, 42)
    eg2 = emb_tag.reshape(NG // 2, 42)

    def blockdiag(w):
        z = jnp.zeros((21, HD), _f32)
        return jnp.concatenate(
            [jnp.concatenate([w, z], axis=1),
             jnp.concatenate([z, w], axis=1)], axis=0)

    wt2 = blockdiag(comb_W[21:42])
    wq2 = blockdiag(comb_W[42:63])
    wg2 = blockdiag(comb_W[63:84])

    out_shapes = (
        jax.ShapeDtypeStruct((NT // 2, 128), _f32),
        jax.ShapeDtypeStruct((NQ // 2, 128), _f32),
        jax.ShapeDtypeStruct((NG // 2, 128), _f32),
        jax.ShapeDtypeStruct((3, HD), _f32),
        jax.ShapeDtypeStruct((10, HD), _f32),
    )
    pt2, pq2, pg2, p3, p10 = pl.pallas_call(_proj_body, out_shape=out_shapes)(
        et2, eq2, eg2, emb_int, emb_tt, wt2, wq2, wg2,
        comb_W[0:21], comb_W[99:104])
    return (pt2.reshape(NT, HD), pq2.reshape(NQ, HD), pg2.reshape(NG, HD),
            p3, p10)


def _issue_gathers(pt_hbm, pq_hbm, pg_hbm, ti_v, qi_v, gi_v, tmp, i, b, sem):
    pltpu.async_copy(pt_hbm.at[ti_v.at[i]], tmp.at[b, 0], sem)
    pltpu.async_copy(pq_hbm.at[qi_v.at[i]], tmp.at[b, 1], sem)
    pltpu.async_copy(pg_hbm.at[gi_v.at[i]], tmp.at[b, 2], sem)


def _drain_gathers(pt_hbm, tmp, b, sem):
    for j in range(3):
        pltpu.make_async_copy(pt_hbm.at[pl.ds(0, CH)], tmp.at[b, j], sem).wait()


def _gather_body(tidx_hbm, qidx_hbm, gidx_hbm, pt_hbm, pq_hbm, pg_hbm,
                 ident_hbm, out_hbm,
                 ti_v, qi_v, gi_v, ident_v, tmp, acc_sh, sem0, sem1):
    c = lax.axis_index("c")
    s = lax.axis_index("s")
    wid = s * NC + c
    base = wid * PER_WH

    rows = pl.ds(wid * NCHUNK, NCHUNK)
    pltpu.sync_copy(tidx_hbm.at[rows], ti_v)
    pltpu.sync_copy(qidx_hbm.at[rows], qi_v)
    pltpu.sync_copy(gidx_hbm.at[rows], gi_v)
    pltpu.sync_copy(ident_hbm, ident_v)
    off = s * CH
    for k in range(CH // 16):
        sl = pl.ds(k * 16, 16)
        ident_v[sl] = ident_v[sl] + off

    _issue_gathers(pt_hbm, pq_hbm, pg_hbm, ti_v, qi_v, gi_v, tmp, 0, 0, sem0)

    sems = (sem0, sem1)

    def chunk(i, b):
        @pl.when(i < NCHUNK - 1)
        def _():
            _issue_gathers(pt_hbm, pq_hbm, pg_hbm, ti_v, qi_v, gi_v, tmp,
                           i + 1, 1 - b, sems[1 - b])
        _drain_gathers(pt_hbm, tmp, b, sems[b])
        mine = acc_sh.at[pl.ds(s * CH, CH)]
        pltpu.sync_copy(tmp.at[b, 0], mine)
        pltpu.sync_copy(tmp.at[b, 1], acc_sh.at[ident_v], add=True)
        pltpu.sync_copy(tmp.at[b, 2], acc_sh.at[ident_v], add=True)
        pltpu.sync_copy(mine, out_hbm.at[pl.ds(base + i * CH, CH),
                                         pl.ds(0, HD)])

    def two_chunks(k, carry):
        chunk(2 * k, 0)
        chunk(2 * k + 1, 1)
        return carry

    lax.fori_loop(0, NCHUNK // 2, two_chunks, 0)
    if NCHUNK % 2:
        chunk(NCHUNK - 1, 0)


def _gather_sum_half(t2d, q2d, g2d, pt, pq, pg):
    mesh = plsc.VectorSubcoreMesh(core_axis_name="c", subcore_axis_name="s")
    ident = jnp.arange(CH, dtype=jnp.int32)
    fn = pl.kernel(
        _gather_body,
        out_type=jax.ShapeDtypeStruct((HALF, 128), _f32),
        mesh=mesh,
        compiler_params=pltpu.CompilerParams(use_tc_tiling_on_sc=False),
        scratch_types=[
            pltpu.VMEM((NCHUNK, CH), jnp.int32),
            pltpu.VMEM((NCHUNK, CH), jnp.int32),
            pltpu.VMEM((NCHUNK, CH), jnp.int32),
            pltpu.VMEM((CH,), jnp.int32),
            pltpu.VMEM((2, 3, CH, HD), _f32),
            pltpu.VMEM_SHARED((NS * CH, HD), _f32),
            pltpu.SemaphoreType.DMA,
            pltpu.SemaphoreType.DMA,
        ],
    )
    return fn(t2d, q2d, g2d, pt, pq, pg, ident)


CHC = 4096


def _dense_body(xt_ref, gsum_ref, g_ref, h_ref, w60_ref, p3_ref, p10_ref,
                b_ref, out_ref):
    xt = xt_ref[...]
    a = jax.nn.sigmoid(
        lax.dot_general(xt, g_ref[...], _DNT, preferred_element_type=_f32)
        + h_ref[...])
    o = _dot(a, w60_ref[...]) + b_ref[...] + gsum_ref[:, 0:HD]
    iv = xt[12:13, :]
    tv = xt[13:14, :]
    i3 = lax.broadcasted_iota(jnp.int32, (3, CHC), 0).astype(_f32)
    i10 = lax.broadcasted_iota(jnp.int32, (10, CHC), 0).astype(_f32)
    oh3 = jnp.where(iv == i3, 1.0, 0.0)
    oh10 = jnp.where(tv == i10, 1.0, 0.0)
    o = o + lax.dot_general(oh3, p3_ref[...], _DNT,
                            preferred_element_type=_f32)
    o = o + lax.dot_general(oh10, p10_ref[...], _DNT,
                            preferred_element_type=_f32)
    out_ref[...] = o


def _dense_part_half(hh, xt, gsum2, G, h, W60, p3, p10, bias):
    grid = (HALF // CHC,)
    fixed = lambda i: (0, 0)
    off = hh * (HALF // CHC)
    return pl.pallas_call(
        _dense_body,
        grid=grid,
        in_specs=[
            pl.BlockSpec((14, CHC), lambda i: (0, i + off)),
            pl.BlockSpec((CHC, 128), lambda i: (i, 0)),
            pl.BlockSpec((14, 60), fixed),
            pl.BlockSpec((1, 60), fixed),
            pl.BlockSpec((60, HD), fixed),
            pl.BlockSpec((3, HD), fixed),
            pl.BlockSpec((10, HD), fixed),
            pl.BlockSpec((1, HD), fixed),
        ],
        out_specs=pl.BlockSpec((CHC, HD), lambda i: (i, 0)),
        out_shape=jax.ShapeDtypeStruct((HALF, HD), _f32),
    )(xt, gsum2, G, h, W60, p3, p10, bias)


def kernel(test, question, tag, correct, mask, interaction, dffclt, dscrmn,
           gussng, testTag, user_correct_answer, user_total_answer, user_acc,
           user_mean, assessment_mean, test_mean, knowledgeTag_mean,
           time_to_solve, prior_testTag_frequency, emb_interaction, emb_test,
           emb_question, emb_tag, emb_testTag, lin_W, lin_b, comb_W, comb_b):
    tidx = test.reshape(NPOS).astype(jnp.int32)
    qidx = question.reshape(NPOS).astype(jnp.int32)
    gidx = tag.reshape(NPOS).astype(jnp.int32)

    conti = [dffclt, dscrmn, gussng, user_correct_answer, user_total_answer,
             user_acc, user_mean, assessment_mean, test_mean,
             knowledgeTag_mean, time_to_solve, prior_testTag_frequency]
    xt = jnp.stack(
        [f.reshape(NPOS) for f in
         conti + [interaction.astype(_f32), testTag.astype(_f32)]], axis=0)

    G = jnp.concatenate(
        [jnp.kron(jnp.eye(12, dtype=_f32), lin_W[0:1]),
         jnp.zeros((2, 60), _f32)], axis=0)
    h = jnp.tile(lin_b, 12).reshape(1, 60)
    W60 = jnp.concatenate([comb_W[84:99], comb_W[104:149]], axis=0)

    pt, pq, pg, p3, p10 = _project_tables(
        emb_test, emb_question, emb_tag, emb_interaction, emb_testTag, comb_W)

    t2d = tidx.reshape(NPOS // 128, 128)
    q2d = qidx.reshape(NPOS // 128, 128)
    g2d = gidx.reshape(NPOS // 128, 128)
    nr = HALF // 128
    bias = comb_b.reshape(1, HD)
    xdep = (xt[0, 0] * 0.0).astype(jnp.int32)
    outs = []
    for hh in range(NHALF):
        rows = slice(hh * nr, (hh + 1) * nr)
        dep = xdep if hh > 0 else 0
        gs = _gather_sum_half(t2d[rows] + dep, q2d[rows], g2d[rows],
                              pt, pq, pg)
        outs.append(
            _dense_part_half(hh, xt, gs, G, h, W60, p3, p10, bias)
            .reshape(B // NHALF, S, HD))
    return jnp.concatenate(outs, axis=0)

# --- scband reference (transcript-rebuilt; emitter-appended) ---
"""Pipeline reference for scband-model-base-19808389169862 (READ-ONLY COPY).

The authoritative reference and input builder live on the scoring server;
editing this copy changes nothing except your own understanding.
"""

import jax, jax.numpy as jnp
import numpy as np

B, S = 1024, 200
HD, INTD = 64, 21
N_TESTS, N_QUESTIONS, N_TAGS = 1538, 9455, 913
CONTI = ["dffclt", "dscrmn", "gussng", "user_correct_answer", "user_total_answer", "user_acc", "user_mean", "assessment_mean", "test_mean", "knowledgeTag_mean", "time_to_solve", "prior_testTag_frequency"]


def setup_inputs(seed: int = 0) -> dict:
    key = jax.random.key(seed)
    def k(i):
        return jax.random.fold_in(key, i)
    inp = {}
    inp["test"] = jax.random.randint(k(0), (B, S), 0, N_TESTS + 1)
    inp["question"] = jax.random.randint(k(1), (B, S), 0, N_QUESTIONS + 1)
    inp["tag"] = jax.random.randint(k(2), (B, S), 0, N_TAGS + 1)
    inp["correct"] = jax.random.randint(k(3), (B, S), 0, 2)
    inp["mask"] = jnp.ones((B, S), dtype=jnp.float32)
    inp["interaction"] = jax.random.randint(k(4), (B, S), 0, 3)
    inp["testTag"] = jax.random.randint(k(5), (B, S), 0, 10)
    for i, name in enumerate(CONTI):
        inp[name] = jax.random.uniform(k(10 + i), (B, S), dtype=jnp.float32)
    inp["emb_interaction"] = jax.random.normal(k(30), (3, INTD), jnp.float32)
    inp["emb_test"] = jax.random.normal(k(31), (N_TESTS + 1, INTD), jnp.float32)
    inp["emb_question"] = jax.random.normal(k(32), (N_QUESTIONS + 1, INTD), jnp.float32)
    inp["emb_tag"] = jax.random.normal(k(33), (N_TAGS + 1, INTD), jnp.float32)
    inp["emb_testTag"] = jax.random.normal(k(34), (10, 5), jnp.float32)
    inp["lin_W"] = jax.random.normal(k(35), (1, 5), jnp.float32) * 0.5
    inp["lin_b"] = jnp.zeros((5,), jnp.float32)
    inp["comb_W"] = jax.random.normal(k(36), (INTD * 4 + 13 * 5, HD), jnp.float32) * 0.05
    inp["comb_b"] = jnp.zeros((HD,), jnp.float32)
    return inp


def _lin_act(x, W, b):
    # nn.Linear(1, 5) followed by Sigmoid, applied to x.unsqueeze(-1)
    return jax.nn.sigmoid(x[..., None] * W[0] + b)


def reference(test, question, tag, correct, mask, interaction, dffclt, dscrmn, gussng, testTag, user_correct_answer, user_total_answer, user_acc, user_mean, assessment_mean, test_mean, knowledgeTag_mean, time_to_solve, prior_testTag_frequency, emb_interaction, emb_test, emb_question, emb_tag, emb_testTag, lin_W, lin_b, comb_W, comb_b):
    e_int = jnp.take(emb_interaction, interaction, axis=0)
    e_test = jnp.take(emb_test, test, axis=0)
    e_q = jnp.take(emb_question, question, axis=0)
    e_tag = jnp.take(emb_tag, tag, axis=0)
    e_tt = jnp.take(emb_testTag, testTag, axis=0)
    conti = [dffclt, dscrmn, gussng, user_correct_answer, user_total_answer, user_acc, user_mean, assessment_mean, test_mean, knowledgeTag_mean, time_to_solve, prior_testTag_frequency]
    feats = [_lin_act(v, lin_W, lin_b) for v in conti]
    embed = jnp.concatenate([e_int, e_test, e_q, e_tag, feats[0], feats[1], feats[2], e_tt] + feats[3:], axis=2)
    X = embed @ comb_W + comb_b
    return X

if __name__ == "__main__":
    import jax
    _d = setup_inputs()
    print(jax.jit(kernel)(*tuple(_d.values())))

</pallas_src>

<mosaic_0001>
#map = affine_map<(d0, d1) -> (0, 0)>
#map1 = affine_map<(d0, d1) -> (0)>
module attributes {stable_mosaic.version = 14 : i64} {
  func.func @_gather_body(%arg0: i32, %arg1: i32, %arg2: memref<1600x128xi32, #tpu.memory_space<hbm>>, %arg3: memref<1600x128xi32, #tpu.memory_space<hbm>>, %arg4: memref<1600x128xi32, #tpu.memory_space<hbm>>, %arg5: memref<1540x64xf32, #tpu.memory_space<hbm>>, %arg6: memref<9456x64xf32, #tpu.memory_space<hbm>>, %arg7: memref<914x64xf32, #tpu.memory_space<hbm>>, %arg8: memref<128xi32, #tpu.memory_space<hbm>>, %arg9: memref<204800x128xf32, #tpu.memory_space<hbm>>, %arg10: memref<50x128xi32, #tpu.memory_space<vmem>>, %arg11: memref<50x128xi32, #tpu.memory_space<vmem>>, %arg12: memref<50x128xi32, #tpu.memory_space<vmem>>, %arg13: memref<128xi32, #tpu.memory_space<vmem>>, %arg14: memref<2x3x128x64xf32, #tpu.memory_space<vmem>>, %arg15: memref<2048x64xf32, #tpu.memory_space<vmem_shared>>, %arg16: memref<!tpu.dma_semaphore, #tpu.memory_space<semaphore_mem>>, %arg17: memref<!tpu.dma_semaphore, #tpu.memory_space<semaphore_mem>>) attributes {dimension_semantics = [#tpu.dimension_semantics<core_parallel>, #tpu.dimension_semantics<subcore_parallel>], iteration_bounds = array<i64: 2, 16>, scalar_prefetch = 0 : i64, scratch_operands = 8 : i64, tpu.core_type = #tpu.core_type<sc_vector_subcore>, window_params = [{transform_indices = #map}, {transform_indices = #map}, {transform_indices = #map}, {transform_indices = #map}, {transform_indices = #map}, {transform_indices = #map}, {transform_indices = #map1}, {transform_indices = #map}]} {
    %mul3A = arith.constant 2 : i32
    %mul3A_0 = arith.muli %arg1, %mul3A : i32
    %add3A = arith.addi %mul3A_0, %arg0 : i32
    %mul3A_1 = arith.constant 6400 : i32
    %mul3A_2 = arith.muli %add3A, %mul3A_1 : i32
    %mul3A_3 = arith.constant 50 : i32
    %mul3A_4 = arith.muli %add3A, %mul3A_3 : i32
    "tpu.region"() ({
      %run_scoped3A = tpu.sem_alloc : memref<!tpu.dma_semaphore, #tpu.memory_space<semaphore_mem>>
      %dma_start3A_120 = arith.constant 0 : i32
      %dma_start3A_121 = tpu.memref_slice %arg2[%mul3A_4, %dma_start3A_120] : memref<1600x128xi32, #tpu.memory_space<hbm>> -> memref<50x128xi32, #tpu.memory_space<hbm>>
      %dma_start3A_122 = arith.constant 0 : i32
      %dma_start3A_123 = tpu.memref_slice %arg2[%mul3A_4, %dma_start3A_122] : memref<1600x128xi32, #tpu.memory_space<hbm>> -> memref<50x128xi32, #tpu.memory_space<hbm>>
      tpu.enqueue_dma source(%dma_start3A_123 : memref<50x128xi32, #tpu.memory_space<hbm>>) target(%arg10 : memref<50x128xi32, #tpu.memory_space<vmem>>) target_semaphore(%run_scoped3A : memref<!tpu.dma_semaphore, #tpu.memory_space<semaphore_mem>>)
      %dma_wait3A = arith.constant 0 : i32
      %dma_wait3A_124 = tpu.memref_slice %arg2[%mul3A_4, %dma_wait3A] : memref<1600x128xi32, #tpu.memory_space<hbm>> -> memref<50x128xi32, #tpu.memory_space<hbm>>
      %dma_wait3A_125 = arith.constant 0 : i32
      %dma_wait3A_126 = tpu.memref_slice %arg2[%mul3A_4, %dma_wait3A_125] : memref<1600x128xi32, #tpu.memory_space<hbm>> -> memref<50x128xi32, #tpu.memory_space<hbm>>
      tpu.wait_dma2 semaphore(%run_scoped3A : memref<!tpu.dma_semaphore, #tpu.memory_space<semaphore_mem>>) src(%dma_wait3A_126 : memref<50x128xi32, #tpu.memory_space<hbm>>) dst(%arg10 : memref<50x128xi32, #tpu.memory_space<vmem>>)
      tpu.yield
    }) : () -> ()
    "tpu.region"() ({
      %run_scoped3A = tpu.sem_alloc : memref<!tpu.dma_semaphore, #tpu.memory_space<semaphore_mem>>
      %dma_start3A_120 = arith.constant 0 : i32
      %dma_start3A_121 = tpu.memref_slice %arg3[%mul3A_4, %dma_start3A_120] : memref<1600x128xi32, #tpu.memory_space<hbm>> -> memref<50x128xi32, #tpu.memory_space<hbm>>
      %dma_start3A_122 = arith.constant 0 : i32
      %dma_start3A_123 = tpu.memref_slice %arg3[%mul3A_4, %dma_start3A_122] : memref<1600x128xi32, #tpu.memory_space<hbm>> -> memref<50x128xi32, #tpu.memory_space<hbm>>
      tpu.enqueue_dma source(%dma_start3A_123 : memref<50x128xi32, #tpu.memory_space<hbm>>) target(%arg11 : memref<50x128xi32, #tpu.memory_space<vmem>>) target_semaphore(%run_scoped3A : memref<!tpu.dma_semaphore, #tpu.memory_space<semaphore_mem>>)
      %dma_wait3A = arith.constant 0 : i32
      %dma_wait3A_124 = tpu.memref_slice %arg3[%mul3A_4, %dma_wait3A] : memref<1600x128xi32, #tpu.memory_space<hbm>> -> memref<50x128xi32, #tpu.memory_space<hbm>>
      %dma_wait3A_125 = arith.constant 0 : i32
      %dma_wait3A_126 = tpu.memref_slice %arg3[%mul3A_4, %dma_wait3A_125] : memref<1600x128xi32, #tpu.memory_space<hbm>> -> memref<50x128xi32, #tpu.memory_space<hbm>>
      tpu.wait_dma2 semaphore(%run_scoped3A : memref<!tpu.dma_semaphore, #tpu.memory_space<semaphore_mem>>) src(%dma_wait3A_126 : memref<50x128xi32, #tpu.memory_space<hbm>>) dst(%arg11 : memref<50x128xi32, #tpu.memory_space<vmem>>)
      tpu.yield
    }) : () -> ()
    "tpu.region"() ({
      %run_scoped3A = tpu.sem_alloc : memref<!tpu.dma_semaphore, #tpu.memory_space<semaphore_mem>>
      %dma_start3A_120 = arith.constant 0 : i32
      %dma_start3A_121 = tpu.memref_slice %arg4[%mul3A_4, %dma_start3A_120] : memref<1600x128xi32, #tpu.memory_space<hbm>> -> memref<50x128xi32, #tpu.memory_space<hbm>>
      %dma_start3A_122 = arith.constant 0 : i32
      %dma_start3A_123 = tpu.memref_slice %arg4[%mul3A_4, %dma_start3A_122] : memref<1600x128xi32, #tpu.memory_space<hbm>> -> memref<50x128xi32, #tpu.memory_space<hbm>>
      tpu.enqueue_dma source(%dma_start3A_123 : memref<50x128xi32, #tpu.memory_space<hbm>>) target(%arg12 : memref<50x128xi32, #tpu.memory_space<vmem>>) target_semaphore(%run_scoped3A : memref<!tpu.dma_semaphore, #tpu.memory_space<semaphore_mem>>)
      %dma_wait3A = arith.constant 0 : i32
      %dma_wait3A_124 = tpu.memref_slice %arg4[%mul3A_4, %dma_wait3A] : memref<1600x128xi32, #tpu.memory_space<hbm>> -> memref<50x128xi32, #tpu.memory_space<hbm>>
      %dma_wait3A_125 = arith.constant 0 : i32
      %dma_wait3A_126 = tpu.memref_slice %arg4[%mul3A_4, %dma_wait3A_125] : memref<1600x128xi32, #tpu.memory_space<hbm>> -> memref<50x128xi32, #tpu.memory_space<hbm>>
      tpu.wait_dma2 semaphore(%run_scoped3A : memref<!tpu.dma_semaphore, #tpu.memory_space<semaphore_mem>>) src(%dma_wait3A_126 : memref<50x128xi32, #tpu.memory_space<hbm>>) dst(%arg12 : memref<50x128xi32, #tpu.memory_space<vmem>>)
      tpu.yield
    }) : () -> ()
    "tpu.region"() ({
      %run_scoped3A = tpu.sem_alloc : memref<!tpu.dma_semaphore, #tpu.memory_space<semaphore_mem>>
      tpu.enqueue_dma source(%arg8 : memref<128xi32, #tpu.memory_space<hbm>>) target(%arg13 : memref<128xi32, #tpu.memory_space<vmem>>) target_semaphore(%run_scoped3A : memref<!tpu.dma_semaphore, #tpu.memory_space<semaphore_mem>>)
      tpu.wait_dma2 semaphore(%run_scoped3A : memref<!tpu.dma_semaphore, #tpu.memory_space<semaphore_mem>>) src(%arg8 : memref<128xi32, #tpu.memory_space<hbm>>) dst(%arg13 : memref<128xi32, #tpu.memory_space<vmem>>)
      tpu.yield
    }) : () -> ()
    %mul3A_5 = arith.constant 128 : i32
    %mul3A_6 = arith.muli %arg1, %mul3A_5 : i32
    %get3A = arith.constant 0 : index
    %get3A_7 = tpu.vector_load %arg13[%get3A] {strides = array<i32>} : memref<128xi32, #tpu.memory_space<vmem>>, vector<16xi32>,
    %get3A_8 = vector.shape_cast %get3A_7 : vector<16xi32> to vector<16xi32>
    %add3A_9 = vector.broadcast %mul3A_6 : i32 to vector<16xi32>
    %add3A_10 = arith.addi %get3A_8, %add3A_9 : vector<16xi32>
    %swap3A = arith.constant 0 : index
    %swap3A_11 = tpu.vector_load %arg13[%swap3A] {strides = array<i32>} : memref<128xi32, #tpu.memory_space<vmem>>, vector<16xi32>,
    %swap3A_12 = vector.shape_cast %swap3A_11 : vector<16xi32> to vector<16xi32>
    %swap3A_13 = vector.shape_cast %add3A_10 : vector<16xi32> to vector<16xi32>
    tpu.vector_store %arg13[%swap3A], %swap3A_13 {strides = array<i32>} : memref<128xi32, #tpu.memory_space<vmem>>, vector<16xi32>,
    %get3A_14 = arith.constant 16 : index
    %get3A_15 = tpu.vector_load %arg13[%get3A_14] {strides = array<i32>} : memref<128xi32, #tpu.memory_space<vmem>>, vector<16xi32>,
    %get3A_16 = vector.shape_cast %get3A_15 : vector<16xi32> to vector<16xi32>
    %add3A_17 = vector.broadcast %mul3A_6 : i32 to vector<16xi32>
    %add3A_18 = arith.addi %get3A_16, %add3A_17 : vector<16xi32>
    %swap3A_19 = arith.constant 16 : index
    %swap3A_20 = tpu.vector_load %arg13[%swap3A_19] {strides = array<i32>} : memref<128xi32, #tpu.memory_space<vmem>>, vector<16xi32>,
    %swap3A_21 = vector.shape_cast %swap3A_20 : vector<16xi32> to vector<16xi32>
    %swap3A_22 = vector.shape_cast %add3A_18 : vector<16xi32> to vector<16xi32>
    tpu.vector_store %arg13[%swap3A_19], %swap3A_22 {strides = array<i32>} : memref<128xi32, #tpu.memory_space<vmem>>, vector<16xi32>,
    %get3A_23 = arith.constant 32 : index
    %get3A_24 = tpu.vector_load %arg13[%get3A_23] {strides = array<i32>} : memref<128xi32, #tpu.memory_space<vmem>>, vector<16xi32>,
    %get3A_25 = vector.shape_cast %get3A_24 : vector<16xi32> to vector<16xi32>
    %add3A_26 = vector.broadcast %mul3A_6 : i32 to vector<16xi32>
    %add3A_27 = arith.addi %get3A_25, %add3A_26 : vector<16xi32>
    %swap3A_28 = arith.constant 32 : index
    %swap3A_29 = tpu.vector_load %arg13[%swap3A_28] {strides = array<i32>} : memref<128xi32, #tpu.memory_space<vmem>>, vector<16xi32>,
    %swap3A_30 = vector.shape_cast %swap3A_29 : vector<16xi32> to vector<16xi32>
    %swap3A_31 = vector.shape_cast %add3A_27 : vector<16xi32> to vector<16xi32>
    tpu.vector_store %arg13[%swap3A_28], %swap3A_31 {strides = array<i32>} : memref<128xi32, #tpu.memory_space<vmem>>, vector<16xi32>,
    %get3A_32 = arith.constant 48 : index
    %get3A_33 = tpu.vector_load %arg13[%get3A_32] {strides = array<i32>} : memref<128xi32, #tpu.memory_space<vmem>>, vector<16xi32>,
    %get3A_34 = vector.shape_cast %get3A_33 : vector<16xi32> to vector<16xi32>
    %add3A_35 = vector.broadcast %mul3A_6 : i32 to vector<16xi32>
    %add3A_36 = arith.addi %get3A_34, %add3A_35 : vector<16xi32>
    %swap3A_37 = arith.constant 48 : index
    %swap3A_38 = tpu.vector_load %arg13[%swap3A_37] {strides = array<i32>} : memref<128xi32, #tpu.memory_space<vmem>>, vector<16xi32>,
    %swap3A_39 = vector.shape_cast %swap3A_38 : vector<16xi32> to vector<16xi32>
    %swap3A_40 = vector.shape_cast %add3A_36 : vector<16xi32> to vector<16xi32>
    tpu.vector_store %arg13[%swap3A_37], %swap3A_40 {strides = array<i32>} : memref<128xi32, #tpu.memory_space<vmem>>, vector<16xi32>,
    %get3A_41 = arith.constant 64 : index
    %get3A_42 = tpu.vector_load %arg13[%get3A_41] {strides = array<i32>} : memref<128xi32, #tpu.memory_space<vmem>>, vector<16xi32>,
    %get3A_43 = vector.shape_cast %get3A_42 : vector<16xi32> to vector<16xi32>
    %add3A_44 = vector.broadcast %mul3A_6 : i32 to vector<16xi32>
    %add3A_45 = arith.addi %get3A_43, %add3A_44 : vector<16xi32>
    %swap3A_46 = arith.constant 64 : index
    %swap3A_47 = tpu.vector_load %arg13[%swap3A_46] {strides = array<i32>} : memref<128xi32, #tpu.memory_space<vmem>>, vector<16xi32>,
    %swap3A_48 = vector.shape_cast %swap3A_47 : vector<16xi32> to vector<16xi32>
    %swap3A_49 = vector.shape_cast %add3A_45 : vector<16xi32> to vector<16xi32>
    tpu.vector_store %arg13[%swap3A_46], %swap3A_49 {strides = array<i32>} : memref<128xi32, #tpu.memory_space<vmem>>, vector<16xi32>,
    %get3A_50 = arith.constant 80 : index
    %get3A_51 = tpu.vector_load %arg13[%get3A_50] {strides = array<i32>} : memref<128xi32, #tpu.memory_space<vmem>>, vector<16xi32>,
    %get3A_52 = vector.shape_cast %get3A_51 : vector<16xi32> to vector<16xi32>
    %add3A_53 = vector.broadcast %mul3A_6 : i32 to vector<16xi32>
    %add3A_54 = arith.addi %get3A_52, %add3A_53 : vector<16xi32>
    %swap3A_55 = arith.constant 80 : index
    %swap3A_56 = tpu.vector_load %arg13[%swap3A_55] {strides = array<i32>} : memref<128xi32, #tpu.memory_space<vmem>>, vector<16xi32>,
    %swap3A_57 = vector.shape_cast %swap3A_56 : vector<16xi32> to vector<16xi32>
    %swap3A_58 = vector.shape_cast %add3A_54 : vector<16xi32> to vector<16xi32>
    tpu.vector_store %arg13[%swap3A_55], %swap3A_58 {strides = array<i32>} : memref<128xi32, #tpu.memory_space<vmem>>, vector<16xi32>,
    %get3A_59 = arith.constant 96 : index
    %get3A_60 = tpu.vector_load %arg13[%get3A_59] {strides = array<i32>} : memref<128xi32, #tpu.memory_space<vmem>>, vector<16xi32>,
    %get3A_61 = vector.shape_cast %get3A_60 : vector<16xi32> to vector<16xi32>
    %add3A_62 = vector.broadcast %mul3A_6 : i32 to vector<16xi32>
    %add3A_63 = arith.addi %get3A_61, %add3A_62 : vector<16xi32>
    %swap3A_64 = arith.constant 96 : index
    %swap3A_65 = tpu.vector_load %arg13[%swap3A_64] {strides = array<i32>} : memref<128xi32, #tpu.memory_space<vmem>>, vector<16xi32>,
    %swap3A_66 = vector.shape_cast %swap3A_65 : vector<16xi32> to vector<16xi32>
    %swap3A_67 = vector.shape_cast %add3A_63 : vector<16xi32> to vector<16xi32>
    tpu.vector_store %arg13[%swap3A_64], %swap3A_67 {strides = array<i32>} : memref<128xi32, #tpu.memory_space<vmem>>, vector<16xi32>,
    %get3A_68 = arith.constant 112 : index
    %get3A_69 = tpu.vector_load %arg13[%get3A_68] {strides = array<i32>} : memref<128xi32, #tpu.memory_space<vmem>>, vector<16xi32>,
    %get3A_70 = vector.shape_cast %get3A_69 : vector<16xi32> to vector<16xi32>
    %add3A_71 = vector.broadcast %mul3A_6 : i32 to vector<16xi32>
    %add3A_72 = arith.addi %get3A_70, %add3A_71 : vector<16xi32>
    %swap3A_73 = arith.constant 112 : index
    %swap3A_74 = tpu.vector_load %arg13[%swap3A_73] {strides = array<i32>} : memref<128xi32, #tpu.memory_space<vmem>>, vector<16xi32>,
    %swap3A_75 = vector.shape_cast %swap3A_74 : vector<16xi32> to vector<16xi32>
    %swap3A_76 = vector.shape_cast %add3A_72 : vector<16xi32> to vector<16xi32>
    tpu.vector_store %arg13[%swap3A_73], %swap3A_76 {strides = array<i32>} : memref<128xi32, #tpu.memory_space<vmem>>, vector<16xi32>,
    %dma_start3A = arith.constant 0 : i32
    %dma_start3A_77 = arith.constant 0 : i32
    %dma_start3A_78 = arith.constant 0 : i32
    %dma_start3A_79 = arith.constant 0 : i32
    %dma_start3A_80 = arith.constant 0 : i32
    %dma_start3A_81 = tpu.memref_slice %arg14[%dma_start3A_77, %dma_start3A_78, %dma_start3A_79, %dma_start3A_80] : memref<2x3x128x64xf32, #tpu.memory_space<vmem>> -> memref<1x1x128x64xf32, #tpu.memory_space<vmem>>
    %dma_start3A_82 = tpu.memref_squeeze %dma_start3A_81 : memref<1x1x128x64xf32, #tpu.memory_space<vmem>> -> memref<128x64xf32, #tpu.memory_space<vmem>>
    %dma_start3A_83 = arith.constant 0 : i32
    %dma_start3A_84 = tpu.memref_slice %arg10[%dma_start3A, %dma_start3A_83] : memref<50x128xi32, #tpu.memory_space<vmem>> -> memref<1x128xi32, #tpu.memory_space<vmem>>
    %dma_start3A_85 = tpu.memref_squeeze %dma_start3A_84 : memref<1x128xi32, #tpu.memory_space<vmem>> -> memref<128xi32, #tpu.memory_space<vmem>>
    %dma_start3A_86 = arith.constant 0 : i32
    %dma_start3A_87 = arith.constant 0 : i32
    %dma_start3A_88 = tpu.memref_slice %arg5[%dma_start3A_86, %dma_start3A_87] : memref<1540x64xf32, #tpu.memory_space<hbm>> -> memref<1540x64xf32, #tpu.memory_space<hbm>>
    tpu.enqueue_indirect_dma source(%dma_start3A_88 : memref<1540x64xf32, #tpu.memory_space<hbm>>) target(%dma_start3A_82 : memref<128x64xf32, #tpu.memory_space<vmem>>) offsets(%dma_start3A_85 : memref<128xi32, #tpu.memory_space<vmem>>) semaphore(%arg16 : memref<!tpu.dma_semaphore, #tpu.memory_space<semaphore_mem>>)
    %dma_start3A_89 = arith.constant 0 : i32
    %dma_start3A_90 = arith.constant 0 : i32
    %dma_start3A_91 = arith.constant 1 : i32
    %dma_start3A_92 = arith.constant 0 : i32
    %dma_start3A_93 = arith.constant 0 : i32
    %dma_start3A_94 = tpu.memref_slice %arg14[%dma_start3A_90, %dma_start3A_91, %dma_start3A_92, %dma_start3A_93] : memref<2x3x128x64xf32, #tpu.memory_space<vmem>> -> memref<1x1x128x64xf32, #tpu.memory_space<vmem>>
    %dma_start3A_95 = tpu.memref_squeeze %dma_start3A_94 : memref<1x1x128x64xf32, #tpu.memory_space<vmem>> -> memref<128x64xf32, #tpu.memory_space<vmem>>
    %dma_start3A_96 = arith.constant 0 : i32
    %dma_start3A_97 = tpu.memref_slice %arg11[%dma_start3A_89, %dma_start3A_96] : memref<50x128xi32, #tpu.memory_space<vmem>> -> memref<1x128xi32, #tpu.memory_space<vmem>>
    %dma_start3A_98 = tpu.memref_squeeze %dma_start3A_97 : memref<1x128xi32, #tpu.memory_space<vmem>> -> memref<128xi32, #tpu.memory_space<vmem>>
    %dma_start3A_99 = arith.constant 0 : i32
    %dma_start3A_100 = arith.constant 0 : i32
    %dma_start3A_101 = tpu.memref_slice %arg6[%dma_start3A_99, %dma_start3A_100] : memref<9456x64xf32, #tpu.memory_space<hbm>> -> memref<9456x64xf32, #tpu.memory_space<hbm>>
    tpu.enqueue_indirect_dma source(%dma_start3A_101 : memref<9456x64xf32, #tpu.memory_space<hbm>>) target(%dma_start3A_95 : memref<128x64xf32, #tpu.memory_space<vmem>>) offsets(%dma_start3A_98 : memref<128xi32, #tpu.memory_space<vmem>>) semaphore(%arg16 : memref<!tpu.dma_semaphore, #tpu.memory_space<semaphore_mem>>)
    %dma_start3A_102 = arith.constant 0 : i32
    %dma_start3A_103 = arith.constant 0 : i32
    %dma_start3A_104 = arith.constant 2 : i32
    %dma_start3A_105 = arith.constant 0 : i32
    %dma_start3A_106 = arith.constant 0 : i32
    %dma_start3A_107 = tpu.memref_slice %arg14[%dma_start3A_103, %dma_start3A_104, %dma_start3A_105, %dma_start3A_106] : memref<2x3x128x64xf32, #tpu.memory_space<vmem>> -> memref<1x1x128x64xf32, #tpu.memory_space<vmem>>
    %dma_start3A_108 = tpu.memref_squeeze %dma_start3A_107 : memref<1x1x128x64xf32, #tpu.memory_space<vmem>> -> memref<128x64xf32, #tpu.memory_space<vmem>>
    %dma_start3A_109 = arith.constant 0 : i32
    %dma_start3A_110 = tpu.memref_slice %arg12[%dma_start3A_102, %dma_start3A_109] : memref<50x128xi32, #tpu.memory_space<vmem>> -> memref<1x128xi32, #tpu.memory_space<vmem>>
    %dma_start3A_111 = tpu.memref_squeeze %dma_start3A_110 : memref<1x128xi32, #tpu.memory_space<vmem>> -> memref<128xi32, #tpu.memory_space<vmem>>
    %dma_start3A_112 = arith.constant 0 : i32
    %dma_start3A_113 = arith.constant 0 : i32
    %dma_start3A_114 = tpu.memref_slice %arg7[%dma_start3A_112, %dma_start3A_113] : memref<914x64xf32, #tpu.memory_space<hbm>> -> memref<914x64xf32, #tpu.memory_space<hbm>>
    tpu.enqueue_indirect_dma source(%dma_start3A_114 : memref<914x64xf32, #tpu.memory_space<hbm>>) target(%dma_start3A_108 : memref<128x64xf32, #tpu.memory_space<vmem>>) offsets(%dma_start3A_111 : memref<128xi32, #tpu.memory_space<vmem>>) semaphore(%arg16 : memref<!tpu.dma_semaphore, #tpu.memory_space<semaphore_mem>>)
    %scan3A = arith.constant 0 : i32
    %scan3A_115 = arith.constant 0 : i32
    %scan3A_116 = arith.constant 25 : i32
    %scan3A_117 = arith.addi %scan3A_115, %scan3A_116 : i32
    %scan3A_118 = arith.constant 1 : i32
    scf.for %scan3A_120 = %scan3A_115 to %scan3A_117 step %scan3A_118  : i32 {
      %mul3A_121 = arith.constant 2 : i32
      %mul3A_122 = arith.muli %mul3A_121, %scan3A_120 : i32
      %lt3A = arith.constant 49 : i32
      %lt3A_123 = arith.cmpi slt, %mul3A_122, %lt3A : i32
      %convert_element_type3A = arith.extui %lt3A_123 : i1 to i32
      %cond3A = arith.constant 0 : i32
      %cond3A_124 = arith.cmpi ne, %convert_element_type3A, %cond3A : i32
      scf.if %cond3A_124 {
        %add3A_250 = arith.constant 1 : i32
        %add3A_251 = arith.addi %mul3A_122, %add3A_250 : i32
        %dma_start3A_252 = arith.constant 1 : i32
        %dma_start3A_253 = arith.constant 0 : i32
        %dma_start3A_254 = arith.constant 0 : i32
        %dma_start3A_255 = arith.constant 0 : i32
        %dma_start3A_256 = tpu.memref_slice %arg14[%dma_start3A_252, %dma_start3A_253, %dma_start3A_254, %dma_start3A_255] : memref<2x3x128x64xf32, #tpu.memory_space<vmem>> -> memref<1x1x128x64xf32, #tpu.memory_space<vmem>>
        %dma_start3A_257 = tpu.memref_squeeze %dma_start3A_256 : memref<1x1x128x64xf32, #tpu.memory_space<vmem>> -> memref<128x64xf32, #tpu.memory_space<vmem>>
        %dma_start3A_258 = arith.constant 0 : i32
        %dma_start3A_259 = tpu.memref_slice %arg10[%add3A_251, %dma_start3A_258] : memref<50x128xi32, #tpu.memory_space<vmem>> -> memref<1x128xi32, #tpu.memory_space<vmem>>
        %dma_start3A_260 = tpu.memref_squeeze %dma_start3A_259 : memref<1x128xi32, #tpu.memory_space<vmem>> -> memref<128xi32, #tpu.memory_space<vmem>>
        %dma_start3A_261 = arith.constant 0 : i32
        %dma_start3A_262 = arith.constant 0 : i32
        %dma_start3A_263 = tpu.memref_slice %arg5[%dma_start3A_261, %dma_start3A_262] : memref<1540x64xf32, #tpu.memory_space<hbm>> -> memref<1540x64xf32, #tpu.memory_space<hbm>>
        tpu.enqueue_indirect_dma source(%dma_start3A_263 : memref<1540x64xf32, #tpu.memory_space<hbm>>) target(%dma_start3A_257 : memref<128x64xf32, #tpu.memory_space<vmem>>) offsets(%dma_start3A_260 : memref<128xi32, #tpu.memory_space<vmem>>) semaphore(%arg17 : memref<!tpu.dma_semaphore, #tpu.memory_space<semaphore_mem>>)
        %dma_start3A_264 = arith.constant 1 : i32
        %dma_start3A_265 = arith.constant 1 : i32
        %dma_start3A_266 = arith.constant 0 : i32
        %dma_start3A_267 = arith.constant 0 : i32
        %dma_start3A_268 = tpu.memref_slice %arg14[%dma_start3A_264, %dma_start3A_265, %dma_start3A_266, %dma_start3A_267] : memref<2x3x128x64xf32, #tpu.memory_space<vmem>> -> memref<1x1x128x64xf32, #tpu.memory_space<vmem>>
        %dma_start3A_269 = tpu.memref_squeeze %dma_start3A_268 : memref<1x1x128x64xf32, #tpu.memory_space<vmem>> -> memref<128x64xf32, #tpu.memory_space<vmem>>
        %dma_start3A_270 = arith.constant 0 : i32
        %dma_start3A_271 = tpu.memref_slice %arg11[%add3A_251, %dma_start3A_270] : memref<50x128xi32, #tpu.memory_space<vmem>> -> memref<1x128xi32, #tpu.memory_space<vmem>>
        %dma_start3A_272 = tpu.memref_squeeze %dma_start3A_271 : memref<1x128xi32, #tpu.memory_space<vmem>> -> memref<128xi32, #tpu.memory_space<vmem>>
        %dma_start3A_273 = arith.constant 0 : i32
        %dma_start3A_274 = arith.constant 0 : i32
        %dma_start3A_275 = tpu.memref_slice %arg6[%dma_start3A_273, %dma_start3A_274] : memref<9456x64xf32, #tpu.memory_space<hbm>> -> memref<9456x64xf32, #tpu.memory_space<hbm>>
        tpu.enqueue_indirect_dma source(%dma_start3A_275 : memref<9456x64xf32, #tpu.memory_space<hbm>>) target(%dma_start3A_269 : memref<128x64xf32, #tpu.memory_space<vmem>>) offsets(%dma_start3A_272 : memref<128xi32, #tpu.memory_space<vmem>>) semaphore(%arg17 : memref<!tpu.dma_semaphore, #tpu.memory_space<semaphore_mem>>)
        %dma_start3A_276 = arith.constant 1 : i32
        %dma_start3A_277 = arith.constant 2 : i32
        %dma_start3A_278 = arith.constant 0 : i32
        %dma_start3A_279 = arith.constant 0 : i32
        %dma_start3A_280 = tpu.memref_slice %arg14[%dma_start3A_276, %dma_start3A_277, %dma_start3A_278, %dma_start3A_279] : memref<2x3x128x64xf32, #tpu.memory_space<vmem>> -> memref<1x1x128x64xf32, #tpu.memory_space<vmem>>
        %dma_start3A_281 = tpu.memref_squeeze %dma_start3A_280 : memref<1x1x128x64xf32, #tpu.memory_space<vmem>> -> memref<128x64xf32, #tpu.memory_space<vmem>>
        %dma_start3A_282 = arith.constant 0 : i32
        %dma_start3A_283 = tpu.memref_slice %arg12[%add3A_251, %dma_start3A_282] : memref<50x128xi32, #tpu.memory_space<vmem>> -> memref<1x128xi32, #tpu.memory_space<vmem>>
        %dma_start3A_284 = tpu.memref_squeeze %dma_start3A_283 : memref<1x128xi32, #tpu.memory_space<vmem>> -> memref<128xi32, #tpu.memory_space<vmem>>
        %dma_start3A_285 = arith.constant 0 : i32
        %dma_start3A_286 = arith.constant 0 : i32
        %dma_start3A_287 = tpu.memref_slice %arg7[%dma_start3A_285, %dma_start3A_286] : memref<914x64xf32, #tpu.memory_space<hbm>> -> memref<914x64xf32, #tpu.memory_space<hbm>>
        tpu.enqueue_indirect_dma source(%dma_start3A_287 : memref<914x64xf32, #tpu.memory_space<hbm>>) target(%dma_start3A_281 : memref<128x64xf32, #tpu.memory_space<vmem>>) offsets(%dma_start3A_284 : memref<128xi32, #tpu.memory_space<vmem>>) semaphore(%arg17 : memref<!tpu.dma_semaphore, #tpu.memory_space<semaphore_mem>>)
      } else {
      }
      %dma_wait3A = arith.constant 0 : i32
      %dma_wait3A_125 = arith.constant 0 : i32
      %dma_wait3A_126 = arith.constant 0 : i32
      %dma_wait3A_127 = arith.constant 0 : i32
      %dma_wait3A_128 = tpu.memref_slice %arg14[%dma_wait3A, %dma_wait3A_125, %dma_wait3A_126, %dma_wait3A_127] : memref<2x3x128x64xf32, #tpu.memory_space<vmem>> -> memref<1x1x128x64xf32, #tpu.memory_space<vmem>>
      %dma_wait3A_129 = tpu.memref_squeeze %dma_wait3A_128 : memref<1x1x128x64xf32, #tpu.memory_space<vmem>> -> memref<128x64xf32, #tpu.memory_space<vmem>>
      %dma_wait3A_130 = arith.constant 0 : i32
      %dma_wait3A_131 = arith.constant 0 : i32
      %dma_wait3A_132 = tpu.memref_slice %arg5[%dma_wait3A_130, %dma_wait3A_131] : memref<1540x64xf32, #tpu.memory_space<hbm>> -> memref<128x64xf32, #tpu.memory_space<hbm>>
      %dma_wait3A_133 = arith.constant 0 : i32
      %dma_wait3A_134 = arith.constant 0 : i32
      %dma_wait3A_135 = tpu.memref_slice %arg14[%dma_wait3A, %dma_wait3A_125, %dma_wait3A_133, %dma_wait3A_134] : memref<2x3x128x64xf32, #tpu.memory_space<vmem>> -> memref<1x1x128x64xf32, #tpu.memory_space<vmem>>
      %dma_wait3A_136 = tpu.memref_squeeze %dma_wait3A_135 : memref<1x1x128x64xf32, #tpu.memory_space<vmem>> -> memref<128x64xf32, #tpu.memory_space<vmem>>
      %dma_wait3A_137 = arith.constant 0 : i32
      %dma_wait3A_138 = arith.constant 0 : i32
      %dma_wait3A_139 = tpu.memref_slice %arg5[%dma_wait3A_137, %dma_wait3A_138] : memref<1540x64xf32, #tpu.memory_space<hbm>> -> memref<128x64xf32, #tpu.memory_space<hbm>>
      tpu.wait_dma2 semaphore(%arg16 : memref<!tpu.dma_semaphore, #tpu.memory_space<semaphore_mem>>) src(%dma_wait3A_139 : memref<128x64xf32, #tpu.memory_space<hbm>>) dst(%dma_wait3A_136 : memref<128x64xf32, #tpu.memory_space<vmem>>)
      %dma_wait3A_140 = arith.constant 0 : i32
      %dma_wait3A_141 = arith.constant 1 : i32
      %dma_wait3A_142 = arith.constant 0 : i32
      %dma_wait3A_143 = arith.constant 0 : i32
      %dma_wait3A_144 = tpu.memref_slice %arg14[%dma_wait3A_140, %dma_wait3A_141, %dma_wait3A_142, %dma_wait3A_143] : memref<2x3x128x64xf32, #tpu.memory_space<vmem>> -> memref<1x1x128x64xf32, #tpu.memory_space<vmem>>
      %dma_wait3A_145 = tpu.memref_squeeze %dma_wait3A_144 : memref<1x1x128x64xf32, #tpu.memory_space<vmem>> -> memref<128x64xf32, #tpu.memory_space<vmem>>
      %dma_wait3A_146 = arith.constant 0 : i32
      %dma_wait3A_147 = arith.constant 0 : i32
      %dma_wait3A_148 = tpu.memref_slice %arg5[%dma_wait3A_146, %dma_wait3A_147] : memref<1540x64xf32, #tpu.memory_space<hbm>> -> memref<128x64xf32, #tpu.memory_space<hbm>>
      %dma_wait3A_149 = arith.constant 0 : i32
      %dma_wait3A_150 = arith.constant 0 : i32
      %dma_wait3A_151 = tpu.memref_slice %arg14[%dma_wait3A_140, %dma_wait3A_141, %dma_wait3A_149, %dma_wait3A_150] : memref<2x3x128x64xf32, #tpu.memory_space<vmem>> -> memref<1x1x128x64xf32, #tpu.memory_space<vmem>>
      %dma_wait3A_152 = tpu.memref_squeeze %dma_wait3A_151 : memref<1x1x128x64xf32, #tpu.memory_space<vmem>> -> memref<128x64xf32, #tpu.memory_space<vmem>>
      %dma_wait3A_153 = arith.constant 0 : i32
      %dma_wait3A_154 = arith.constant 0 : i32
      %dma_wait3A_155 = tpu.memref_slice %arg5[%dma_wait3A_153, %dma_wait3A_154] : memref<1540x64xf32, #tpu.memory_space<hbm>> -> memref<128x64xf32, #tpu.memory_space<hbm>>
      tpu.wait_dma2 semaphore(%arg16 : memref<!tpu.dma_semaphore, #tpu.memory_space<semaphore_mem>>) src(%dma_wait3A_155 : memref<128x64xf32, #tpu.memory_space<hbm>>) dst(%dma_wait3A_152 : memref<128x64xf32, #tpu.memory_space<vmem>>)
      %dma_wait3A_156 = arith.constant 0 : i32
      %dma_wait3A_157 = arith.constant 2 : i32
      %dma_wait3A_158 = arith.constant 0 : i32
      %dma_wait3A_159 = arith.constant 0 : i32
      %dma_wait3A_160 = tpu.memref_slice %arg14[%dma_wait3A_156, %dma_wait3A_157, %dma_wait3A_158, %dma_wait3A_159] : memref<2x3x128x64xf32, #tpu.memory_space<vmem>> -> memref<1x1x128x64xf32, #tpu.memory_space<vmem>>
      %dma_wait3A_161 = tpu.memref_squeeze %dma_wait3A_160 : memref<1x1x128x64xf32, #tpu.memory_space<vmem>> -> memref<128x64xf32, #tpu.memory_space<vmem>>
      %dma_wait3A_162 = arith.constant 0 : i32
      %dma_wait3A_163 = arith.constant 0 : i32
      %dma_wait3A_164 = tpu.memref_slice %arg5[%dma_wait3A_162, %dma_wait3A_163] : memref<1540x64xf32, #tpu.memory_space<hbm>> -> memref<128x64xf32, #tpu.memory_space<hbm>>
      %dma_wait3A_165 = arith.constant 0 : i32
      %dma_wait3A_166 = arith.constant 0 : i32
      %dma_wait3A_167 = tpu.memref_slice %arg14[%dma_wait3A_156, %dma_wait3A_157, %dma_wait3A_165, %dma_wait3A_166] : memref<2x3x128x64xf32, #tpu.memory_space<vmem>> -> memref<1x1x128x64xf32, #tpu.memory_space<vmem>>
      %dma_wait3A_168 = tpu.memref_squeeze %dma_wait3A_167 : memref<1x1x128x64xf32, #tpu.memory_space<vmem>> -> memref<128x64xf32, #tpu.memory_space<vmem>>
      %dma_wait3A_169 = arith.constant 0 : i32
      %dma_wait3A_170 = arith.constant 0 : i32
      %dma_wait3A_171 = tpu.memref_slice %arg5[%dma_wait3A_169, %dma_wait3A_170] : memref<1540x64xf32, #tpu.memory_space<hbm>> -> memref<128x64xf32, #tpu.memory_space<hbm>>
      tpu.wait_dma2 semaphore(%arg16 : memref<!tpu.dma_semaphore, #tpu.memory_space<semaphore_mem>>) src(%dma_wait3A_171 : memref<128x64xf32, #tpu.memory_space<hbm>>) dst(%dma_wait3A_168 : memref<128x64xf32, #tpu.memory_space<vmem>>)
      %mul3A_172 = arith.constant 128 : i32
      %mul3A_173 = arith.muli %arg1, %mul3A_172 : i32
      %run_scoped3A = arith.constant 0 : i32
      %run_scoped3A_174 = arith.constant 0 : i32
      "tpu.region"() ({
        %run_scoped3A_250 = tpu.sem_alloc : memref<!tpu.dma_semaphore, #tpu.memory_space<semaphore_mem>>
        %dma_start3A_251 = arith.constant 0 : i32
        %dma_start3A_252 = arith.constant 0 : i32
        %dma_start3A_253 = tpu.memref_slice %arg14[%run_scoped3A, %run_scoped3A_174, %dma_start3A_251, %dma_start3A_252] : memref<2x3x128x64xf32, #tpu.memory_space<vmem>> -> memref<1x1x128x64xf32, #tpu.memory_space<vmem>>
        %dma_start3A_254 = tpu.memref_squeeze %dma_start3A_253 : memref<1x1x128x64xf32, #tpu.memory_space<vmem>> -> memref<128x64xf32, #tpu.memory_space<vmem>>
        %dma_start3A_255 = arith.constant 0 : i32
        %dma_start3A_256 = tpu.memref_slice %arg15[%mul3A_173, %dma_start3A_255] : memref<2048x64xf32, #tpu.memory_space<vmem_shared>> -> memref<128x64xf32, #tpu.memory_space<vmem_shared>>
        %dma_start3A_257 = arith.constant 0 : i32
        %dma_start3A_258 = tpu.memref_slice %arg15[%mul3A_173, %dma_start3A_257] : memref<2048x64xf32, #tpu.memory_space<vmem_shared>> -> memref<128x64xf32, #tpu.memory_space<vmem_shared>>
        %dma_start3A_259 = arith.constant 0 : i32
        %dma_start3A_260 = arith.constant 0 : i32
        %dma_start3A_261 = tpu.memref_slice %arg14[%run_scoped3A, %run_scoped3A_174, %dma_start3A_259, %dma_start3A_260] : memref<2x3x128x64xf32, #tpu.memory_space<vmem>> -> memref<1x1x128x64xf32, #tpu.memory_space<vmem>>
        %dma_start3A_262 = tpu.memref_squeeze %dma_start3A_261 : memref<1x1x128x64xf32, #tpu.memory_space<vmem>> -> memref<128x64xf32, #tpu.memory_space<vmem>>
        tpu.enqueue_dma source(%dma_start3A_262 : memref<128x64xf32, #tpu.memory_space<vmem>>) target(%dma_start3A_258 : memref<128x64xf32, #tpu.memory_space<vmem_shared>>) target_semaphore(%run_scoped3A_250 : memref<!tpu.dma_semaphore, #tpu.memory_space<semaphore_mem>>)
        %dma_wait3A_263 = arith.constant 0 : i32
        %dma_wait3A_264 = arith.constant 0 : i32
        %dma_wait3A_265 = tpu.memref_slice %arg14[%run_scoped3A, %run_scoped3A_174, %dma_wait3A_263, %dma_wait3A_264] : memref<2x3x128x64xf32, #tpu.memory_space<vmem>> -> memref<1x1x128x64xf32, #tpu.memory_space<vmem>>
        %dma_wait3A_266 = tpu.memref_squeeze %dma_wait3A_265 : memref<1x1x128x64xf32, #tpu.memory_space<vmem>> -> memref<128x64xf32, #tpu.memory_space<vmem>>
        %dma_wait3A_267 = arith.constant 0 : i32
        %dma_wait3A_268 = tpu.memref_slice %arg15[%mul3A_173, %dma_wait3A_267] : memref<2048x64xf32, #tpu.memory_space<vmem_shared>> -> memref<128x64xf32, #tpu.memory_space<vmem_shared>>
        %dma_wait3A_269 = arith.constant 0 : i32
        %dma_wait3A_270 = tpu.memref_slice %arg15[%mul3A_173, %dma_wait3A_269] : memref<2048x64xf32, #tpu.memory_space<vmem_shared>> -> memref<128x64xf32, #tpu.memory_space<vmem_shared>>
        %dma_wait3A_271 = arith.constant 0 : i32
        %dma_wait3A_272 = arith.constant 0 : i32
        %dma_wait3A_273 = tpu.memref_slice %arg14[%run_scoped3A, %run_scoped3A_174, %dma_wait3A_271, %dma_wait3A_272] : memref<2x3x128x64xf32, #tpu.memory_space<vmem>> -> memref<1x1x128x64xf32, #tpu.memory_space<vmem>>
        %dma_wait3A_274 = tpu.memref_squeeze %dma_wait3A_273 : memref<1x1x128x64xf32, #tpu.memory_space<vmem>> -> memref<128x64xf32, #tpu.memory_space<vmem>>
        tpu.wait_dma2 semaphore(%run_scoped3A_250 : memref<!tpu.dma_semaphore, #tpu.memory_space<semaphore_mem>>) src(%dma_wait3A_274 : memref<128x64xf32, #tpu.memory_space<vmem>>) dst(%dma_wait3A_270 : memref<128x64xf32, #tpu.memory_space<vmem_shared>>)
        tpu.yield
      }) : () -> ()
      %run_scoped3A_175 = arith.constant 0 : i32
      %run_scoped3A_176 = arith.constant 1 : i32
      "tpu.region"() ({
        %run_scoped3A_250 = tpu.sem_alloc : memref<!tpu.dma_semaphore, #tpu.memory_space<semaphore_mem>>
        %dma_start3A_251 = arith.constant 0 : i32
        %dma_start3A_252 = arith.constant 0 : i32
        %dma_start3A_253 = tpu.memref_slice %arg14[%run_scoped3A_175, %run_scoped3A_176, %dma_start3A_251, %dma_start3A_252] : memref<2x3x128x64xf32, #tpu.memory_space<vmem>> -> memref<1x1x128x64xf32, #tpu.memory_space<vmem>>
        %dma_start3A_254 = tpu.memref_squeeze %dma_start3A_253 : memref<1x1x128x64xf32, #tpu.memory_space<vmem>> -> memref<128x64xf32, #tpu.memory_space<vmem>>
        %dma_start3A_255 = arith.constant 0 : i32
        %dma_start3A_256 = arith.constant 0 : i32
        %dma_start3A_257 = tpu.memref_slice %arg15[%dma_start3A_255, %dma_start3A_256] : memref<2048x64xf32, #tpu.memory_space<vmem_shared>> -> memref<2048x64xf32, #tpu.memory_space<vmem_shared>>
        tpu.enqueue_indirect_dma source(%dma_start3A_254 : memref<128x64xf32, #tpu.memory_space<vmem>>) target(%dma_start3A_257 : memref<2048x64xf32, #tpu.memory_space<vmem_shared>>) offsets(%arg13 : memref<128xi32, #tpu.memory_space<vmem>>) semaphore(%run_scoped3A_250 : memref<!tpu.dma_semaphore, #tpu.memory_space<semaphore_mem>>) {add = true}
        %dma_wait3A_258 = arith.constant 0 : i32
        %dma_wait3A_259 = arith.constant 0 : i32
        %dma_wait3A_260 = tpu.memref_slice %arg14[%run_scoped3A_175, %run_scoped3A_176, %dma_wait3A_258, %dma_wait3A_259] : memref<2x3x128x64xf32, #tpu.memory_space<vmem>> -> memref<1x1x128x64xf32, #tpu.memory_space<vmem>>
        %dma_wait3A_261 = tpu.memref_squeeze %dma_wait3A_260 : memref<1x1x128x64xf32, #tpu.memory_space<vmem>> -> memref<128x64xf32, #tpu.memory_space<vmem>>
        %dma_wait3A_262 = arith.constant 0 : i32
        %dma_wait3A_263 = arith.constant 0 : i32
        %dma_wait3A_264 = tpu.memref_slice %arg15[%dma_wait3A_262, %dma_wait3A_263] : memref<2048x64xf32, #tpu.memory_space<vmem_shared>> -> memref<2048x64xf32, #tpu.memory_space<vmem_shared>>
        tpu.wait_indirect_dma semaphore(%run_scoped3A_250 : memref<!tpu.dma_semaphore, #tpu.memory_space<semaphore_mem>>) src(%dma_wait3A_261 : memref<128x64xf32, #tpu.memory_space<vmem>>) dst(%dma_wait3A_264 : memref<2048x64xf32, #tpu.memory_space<vmem_shared>>)
        tpu.yield
      }) : () -> ()
      %run_scoped3A_177 = arith.constant 0 : i32
      %run_scoped3A_178 = arith.constant 2 : i32
      "tpu.region"() ({
        %run_scoped3A_250 = tpu.sem_alloc : memref<!tpu.dma_semaphore, #tpu.memory_space<semaphore_mem>>
        %dma_start3A_251 = arith.constant 0 : i32
        %dma_start3A_252 = arith.constant 0 : i32
        %dma_start3A_253 = tpu.memref_slice %arg14[%run_scoped3A_177, %run_scoped3A_178, %dma_start3A_251, %dma_start3A_252] : memref<2x3x128x64xf32, #tpu.memory_space<vmem>> -> memref<1x1x128x64xf32, #tpu.memory_space<vmem>>
        %dma_start3A_254 = tpu.memref_squeeze %dma_start3A_253 : memref<1x1x128x64xf32, #tpu.memory_space<vmem>> -> memref<128x64xf32, #tpu.memory_space<vmem>>
        %dma_start3A_255 = arith.constant 0 : i32
        %dma_start3A_256 = arith.constant 0 : i32
        %dma_start3A_257 = tpu.memref_slice %arg15[%dma_start3A_255, %dma_start3A_256] : memref<2048x64xf32, #tpu.memory_space<vmem_shared>> -> memref<2048x64xf32, #tpu.memory_space<vmem_shared>>
        tpu.enqueue_indirect_dma source(%dma_start3A_254 : memref<128x64xf32, #tpu.memory_space<vmem>>) target(%dma_start3A_257 : memref<2048x64xf32, #tpu.memory_space<vmem_shared>>) offsets(%arg13 : memref<128xi32, #tpu.memory_space<vmem>>) semaphore(%run_scoped3A_250 : memref<!tpu.dma_semaphore, #tpu.memory_space<semaphore_mem>>) {add = true}
        %dma_wait3A_258 = arith.constant 0 : i32
        %dma_wait3A_259 = arith.constant 0 : i32
        %dma_wait3A_260 = tpu.memref_slice %arg14[%run_scoped3A_177, %run_scoped3A_178, %dma_wait3A_258, %dma_wait3A_259] : memref<2x3x128x64xf32, #tpu.memory_space<vmem>> -> memref<1x1x128x64xf32, #tpu.memory_space<vmem>>
        %dma_wait3A_261 = tpu.memref_squeeze %dma_wait3A_260 : memref<1x1x128x64xf32, #tpu.memory_space<vmem>> -> memref<128x64xf32, #tpu.memory_space<vmem>>
        %dma_wait3A_262 = arith.constant 0 : i32
        %dma_wait3A_263 = arith.constant 0 : i32
        %dma_wait3A_264 = tpu.memref_slice %arg15[%dma_wait3A_262, %dma_wait3A_263] : memref<2048x64xf32, #tpu.memory_space<vmem_shared>> -> memref<2048x64xf32, #tpu.memory_space<vmem_shared>>
        tpu.wait_indirect_dma semaphore(%run_scoped3A_250 : memref<!tpu.dma_semaphore, #tpu.memory_space<semaphore_mem>>) src(%dma_wait3A_261 : memref<128x64xf32, #tpu.memory_space<vmem>>) dst(%dma_wait3A_264 : memref<2048x64xf32, #tpu.memory_space<vmem_shared>>)
        tpu.yield
      }) : () -> ()
      %mul3A_179 = arith.constant 128 : i32
      %mul3A_180 = arith.muli %mul3A_122, %mul3A_179 : i32
      %add3A_181 = arith.addi %mul3A_2, %mul3A_180 : i32
      "tpu.region"() ({
        %run_scoped3A_250 = tpu.sem_alloc : memref<!tpu.dma_semaphore, #tpu.memory_space<semaphore_mem>>
        %dma_start3A_251 = arith.constant 0 : i32
        %dma_start3A_252 = tpu.memref_slice %arg9[%add3A_181, %dma_start3A_251] : memref<204800x128xf32, #tpu.memory_space<hbm>> -> memref<128x64xf32, #tpu.memory_space<hbm>>
        %dma_start3A_253 = arith.constant 0 : i32
        %dma_start3A_254 = tpu.memref_slice %arg15[%mul3A_173, %dma_start3A_253] : memref<2048x64xf32, #tpu.memory_space<vmem_shared>> -> memref<128x64xf32, #tpu.memory_space<vmem_shared>>
        tpu.enqueue_dma source(%dma_start3A_254 : memref<128x64xf32, #tpu.memory_space<vmem_shared>>) target(%dma_start3A_252 : memref<128x64xf32, #tpu.memory_space<hbm>>) target_semaphore(%run_scoped3A_250 : memref<!tpu.dma_semaphore, #tpu.memory_space<semaphore_mem>>)
        %dma_wait3A_255 = arith.constant 0 : i32
        %dma_wait3A_256 = tpu.memref_slice %arg9[%add3A_181, %dma_wait3A_255] : memref<204800x128xf32, #tpu.memory_space<hbm>> -> memref<128x64xf32, #tpu.memory_space<hbm>>
        %dma_wait3A_257 = arith.constant 0 : i32
        %dma_wait3A_258 = tpu.memref_slice %arg15[%mul3A_173, %dma_wait3A_257] : memref<2048x64xf32, #tpu.memory_space<vmem_shared>> -> memref<128x64xf32, #tpu.memory_space<vmem_shared>>
        tpu.wait_dma2 semaphore(%run_scoped3A_250 : memref<!tpu.dma_semaphore, #tpu.memory_space<semaphore_mem>>) src(%dma_wait3A_258 : memref<128x64xf32, #tpu.memory_space<vmem_shared>>) dst(%dma_wait3A_256 : memref<128x64xf32, #tpu.memory_space<hbm>>)
        tpu.yield
      }) : () -> ()
      %mul3A_182 = arith.constant 2 : i32
      %mul3A_183 = arith.muli %mul3A_182, %scan3A_120 : i32
      %add3A_184 = arith.constant 1 : i32
      %add3A_185 = arith.addi %mul3A_183, %add3A_184 : i32
      %lt3A_186 = arith.constant 49 : i32
      %lt3A_187 = arith.cmpi slt, %add3A_185, %lt3A_186 : i32
      %convert_element_type3A_188 = arith.extui %lt3A_187 : i1 to i32
      %cond3A_189 = arith.constant 0 : i32
      %cond3A_190 = arith.cmpi ne, %convert_element_type3A_188, %cond3A_189 : i32
      scf.if %cond3A_190 {
        %add3A_250 = arith.constant 1 : i32
        %add3A_251 = arith.addi %add3A_185, %add3A_250 : i32
        %dma_start3A_252 = arith.constant 0 : i32
        %dma_start3A_253 = arith.constant 0 : i32
        %dma_start3A_254 = arith.constant 0 : i32
        %dma_start3A_255 = arith.constant 0 : i32
        %dma_start3A_256 = tpu.memref_slice %arg14[%dma_start3A_252, %dma_start3A_253, %dma_start3A_254, %dma_start3A_255] : memref<2x3x128x64xf32, #tpu.memory_space<vmem>> -> memref<1x1x128x64xf32, #tpu.memory_space<vmem>>
        %dma_start3A_257 = tpu.memref_squeeze %dma_start3A_256 : memref<1x1x128x64xf32, #tpu.memory_space<vmem>> -> memref<128x64xf32, #tpu.memory_space<vmem>>
        %dma_start3A_258 = arith.constant 0 : i32
        %dma_start3A_259 = tpu.memref_slice %arg10[%add3A_251, %dma_start3A_258] : memref<50x128xi32, #tpu.memory_space<vmem>> -> memref<1x128xi32, #tpu.memory_space<vmem>>
        %dma_start3A_260 = tpu.memref_squeeze %dma_start3A_259 : memref<1x128xi32, #tpu.memory_space<vmem>> -> memref<128xi32, #tpu.memory_space<vmem>>
        %dma_start3A_261 = arith.constant 0 : i32
        %dma_start3A_262 = arith.constant 0 : i32
        %dma_start3A_263 = tpu.memref_slice %arg5[%dma_start3A_261, %dma_start3A_262] : memref<1540x64xf32, #tpu.memory_space<hbm>> -> memref<1540x64xf32, #tpu.memory_space<hbm>>
        tpu.enqueue_indirect_dma source(%dma_start3A_263 : memref<1540x64xf32, #tpu.memory_space<hbm>>) target(%dma_start3A_257 : memref<128x64xf32, #tpu.memory_space<vmem>>) offsets(%dma_start3A_260 : memref<128xi32, #tpu.memory_space<vmem>>) semaphore(%arg16 : memref<!tpu.dma_semaphore, #tpu.memory_space<semaphore_mem>>)
        %dma_start3A_264 = arith.constant 0 : i32
        %dma_start3A_265 = arith.constant 1 : i32
        %dma_start3A_266 = arith.constant 0 : i32
        %dma_start3A_267 = arith.constant 0 : i32
        %dma_start3A_268 = tpu.memref_slice %arg14[%dma_start3A_264, %dma_start3A_265, %dma_start3A_266, %dma_start3A_267] : memref<2x3x128x64xf32, #tpu.memory_space<vmem>> -> memref<1x1x128x64xf32, #tpu.memory_space<vmem>>
        %dma_start3A_269 = tpu.memref_squeeze %dma_start3A_268 : memref<1x1x128x64xf32, #tpu.memory_space<vmem>> -> memref<128x64xf32, #tpu.memory_space<vmem>>
        %dma_start3A_270 = arith.constant 0 : i32
        %dma_start3A_271 = tpu.memref_slice %arg11[%add3A_251, %dma_start3A_270] : memref<50x128xi32, #tpu.memory_space<vmem>> -> memref<1x128xi32, #tpu.memory_space<vmem>>
        %dma_start3A_272 = tpu.memref_squeeze %dma_start3A_271 : memref<1x128xi32, #tpu.memory_space<vmem>> -> memref<128xi32, #tpu.memory_space<vmem>>
        %dma_start3A_273 = arith.constant 0 : i32
        %dma_start3A_274 = arith.constant 0 : i32
        %dma_start3A_275 = tpu.memref_slice %arg6[%dma_start3A_273, %dma_start3A_274] : memref<9456x64xf32, #tpu.memory_space<hbm>> -> memref<9456x64xf32, #tpu.memory_space<hbm>>
        tpu.enqueue_indirect_dma source(%dma_start3A_275 : memref<9456x64xf32, #tpu.memory_space<hbm>>) target(%dma_start3A_269 : memref<128x64xf32, #tpu.memory_space<vmem>>) offsets(%dma_start3A_272 : memref<128xi32, #tpu.memory_space<vmem>>) semaphore(%arg16 : memref<!tpu.dma_semaphore, #tpu.memory_space<semaphore_mem>>)
        %dma_start3A_276 = arith.constant 0 : i32
        %dma_start3A_277 = arith.constant 2 : i32
        %dma_start3A_278 = arith.constant 0 : i32
        %dma_start3A_279 = arith.constant 0 : i32
        %dma_start3A_280 = tpu.memref_slice %arg14[%dma_start3A_276, %dma_start3A_277, %dma_start3A_278, %dma_start3A_279] : memref<2x3x128x64xf32, #tpu.memory_space<vmem>> -> memref<1x1x128x64xf32, #tpu.memory_space<vmem>>
        %dma_start3A_281 = tpu.memref_squeeze %dma_start3A_280 : memref<1x1x128x64xf32, #tpu.memory_space<vmem>> -> memref<128x64xf32, #tpu.memory_space<vmem>>
        %dma_start3A_282 = arith.constant 0 : i32
        %dma_start3A_283 = tpu.memref_slice %arg12[%add3A_251, %dma_start3A_282] : memref<50x128xi32, #tpu.memory_space<vmem>> -> memref<1x128xi32, #tpu.memory_space<vmem>>
        %dma_start3A_284 = tpu.memref_squeeze %dma_start3A_283 : memref<1x128xi32, #tpu.memory_space<vmem>> -> memref<128xi32, #tpu.memory_space<vmem>>
        %dma_start3A_285 = arith.constant 0 : i32
        %dma_start3A_286 = arith.constant 0 : i32
        %dma_start3A_287 = tpu.memref_slice %arg7[%dma_start3A_285, %dma_start3A_286] : memref<914x64xf32, #tpu.memory_space<hbm>> -> memref<914x64xf32, #tpu.memory_space<hbm>>
        tpu.enqueue_indirect_dma source(%dma_start3A_287 : memref<914x64xf32, #tpu.memory_space<hbm>>) target(%dma_start3A_281 : memref<128x64xf32, #tpu.memory_space<vmem>>) offsets(%dma_start3A_284 : memref<128xi32, #tpu.memory_space<vmem>>) semaphore(%arg16 : memref<!tpu.dma_semaphore, #tpu.memory_space<semaphore_mem>>)
      } else {
      }
      %dma_wait3A_191 = arith.constant 1 : i32
      %dma_wait3A_192 = arith.constant 0 : i32
      %dma_wait3A_193 = arith.constant 0 : i32
      %dma_wait3A_194 = arith.constant 0 : i32
      %dma_wait3A_195 = tpu.memref_slice %arg14[%dma_wait3A_191, %dma_wait3A_192, %dma_wait3A_193, %dma_wait3A_194] : memref<2x3x128x64xf32, #tpu.memory_space<vmem>> -> memref<1x1x128x64xf32, #tpu.memory_space<vmem>>
      %dma_wait3A_196 = tpu.memref_squeeze %dma_wait3A_195 : memref<1x1x128x64xf32, #tpu.memory_space<vmem>> -> memref<128x64xf32, #tpu.memory_space<vmem>>
      %dma_wait3A_197 = arith.constant 0 : i32
      %dma_wait3A_198 = arith.constant 0 : i32
      %dma_wait3A_199 = tpu.memref_slice %arg5[%dma_wait3A_197, %dma_wait3A_198] : memref<1540x64xf32, #tpu.memory_space<hbm>> -> memref<128x64xf32, #tpu.memory_space<hbm>>
      %dma_wait3A_200 = arith.constant 0 : i32
      %dma_wait3A_201 = arith.constant 0 : i32
      %dma_wait3A_202 = tpu.memref_slice %arg14[%dma_wait3A_191, %dma_wait3A_192, %dma_wait3A_200, %dma_wait3A_201] : memref<2x3x128x64xf32, #tpu.memory_space<vmem>> -> memref<1x1x128x64xf32, #tpu.memory_space<vmem>>
      %dma_wait3A_203 = tpu.memref_squeeze %dma_wait3A_202 : memref<1x1x128x64xf32, #tpu.memory_space<vmem>> -> memref<128x64xf32, #tpu.memory_space<vmem>>
      %dma_wait3A_204 = arith.constant 0 : i32
      %dma_wait3A_205 = arith.constant 0 : i32
      %dma_wait3A_206 = tpu.memref_slice %arg5[%dma_wait3A_204, %dma_wait3A_205] : memref<1540x64xf32, #tpu.memory_space<hbm>> -> memref<128x64xf32, #tpu.memory_space<hbm>>
      tpu.wait_dma2 semaphore(%arg17 : memref<!tpu.dma_semaphore, #tpu.memory_space<semaphore_mem>>) src(%dma_wait3A_206 : memref<128x64xf32, #tpu.memory_space<hbm>>) dst(%dma_wait3A_203 : memref<128x64xf32, #tpu.memory_space<vmem>>)
      %dma_wait3A_207 = arith.constant 1 : i32
      %dma_wait3A_208 = arith.constant 1 : i32
      %dma_wait3A_209 = arith.constant 0 : i32
      %dma_wait3A_210 = arith.constant 0 : i32
      %dma_wait3A_211 = tpu.memref_slice %arg14[%dma_wait3A_207, %dma_wait3A_208, %dma_wait3A_209, %dma_wait3A_210] : memref<2x3x128x64xf32, #tpu.memory_space<vmem>> -> memref<1x1x128x64xf32, #tpu.memory_space<vmem>>
      %dma_wait3A_212 = tpu.memref_squeeze %dma_wait3A_211 : memref<1x1x128x64xf32, #tpu.memory_space<vmem>> -> memref<128x64xf32, #tpu.memory_space<vmem>>
      %dma_wait3A_213 = arith.constant 0 : i32
      %dma_wait3A_214 = arith.constant 0 : i32
      %dma_wait3A_215 = tpu.memref_slice %arg5[%dma_wait3A_213, %dma_wait3A_214] : memref<1540x64xf32, #tpu.memory_space<hbm>> -> memref<128x64xf32, #tpu.memory_space<hbm>>
      %dma_wait3A_216 = arith.constant 0 : i32
      %dma_wait3A_217 = arith.constant 0 : i32
      %dma_wait3A_218 = tpu.memref_slice %arg14[%dma_wait3A_207, %dma_wait3A_208, %dma_wait3A_216, %dma_wait3A_217] : memref<2x3x128x64xf32, #tpu.memory_space<vmem>> -> memref<1x1x128x64xf32, #tpu.memory_space<vmem>>
      %dma_wait3A_219 = tpu.memref_squeeze %dma_wait3A_218 : memref<1x1x128x64xf32, #tpu.memory_space<vmem>> -> memref<128x64xf32, #tpu.memory_space<vmem>>
      %dma_wait3A_220 = arith.constant 0 : i32
      %dma_wait3A_221 = arith.constant 0 : i32
      %dma_wait3A_222 = tpu.memref_slice %arg5[%dma_wait3A_220, %dma_wait3A_221] : memref<1540x64xf32, #tpu.memory_space<hbm>> -> memref<128x64xf32, #tpu.memory_space<hbm>>
      tpu.wait_dma2 semaphore(%arg17 : memref<!tpu.dma_semaphore, #tpu.memory_space<semaphore_mem>>) src(%dma_wait3A_222 : memref<128x64xf32, #tpu.memory_space<hbm>>) dst(%dma_wait3A_219 : memref<128x64xf32, #tpu.memory_space<vmem>>)
      %dma_wait3A_223 = arith.constant 1 : i32
      %dma_wait3A_224 = arith.constant 2 : i32
      %dma_wait3A_225 = arith.constant 0 : i32
      %dma_wait3A_226 = arith.constant 0 : i32
      %dma_wait3A_227 = tpu.memref_slice %arg14[%dma_wait3A_223, %dma_wait3A_224, %dma_wait3A_225, %dma_wait3A_226] : memref<2x3x128x64xf32, #tpu.memory_space<vmem>> -> memref<1x1x128x64xf32, #tpu.memory_space<vmem>>
      %dma_wait3A_228 = tpu.memref_squeeze %dma_wait3A_227 : memref<1x1x128x64xf32, #tpu.memory_space<vmem>> -> memref<128x64xf32, #tpu.memory_space<vmem>>
      %dma_wait3A_229 = arith.constant 0 : i32
      %dma_wait3A_230 = arith.constant 0 : i32
      %dma_wait3A_231 = tpu.memref_slice %arg5[%dma_wait3A_229, %dma_wait3A_230] : memref<1540x64xf32, #tpu.memory_space<hbm>> -> memref<128x64xf32, #tpu.memory_space<hbm>>
      %dma_wait3A_232 = arith.constant 0 : i32
      %dma_wait3A_233 = arith.constant 0 : i32
      %dma_wait3A_234 = tpu.memref_slice %arg14[%dma_wait3A_223, %dma_wait3A_224, %dma_wait3A_232, %dma_wait3A_233] : memref<2x3x128x64xf32, #tpu.memory_space<vmem>> -> memref<1x1x128x64xf32, #tpu.memory_space<vmem>>
      %dma_wait3A_235 = tpu.memref_squeeze %dma_wait3A_234 : memref<1x1x128x64xf32, #tpu.memory_space<vmem>> -> memref<128x64xf32, #tpu.memory_space<vmem>>
      %dma_wait3A_236 = arith.constant 0 : i32
      %dma_wait3A_237 = arith.constant 0 : i32
      %dma_wait3A_238 = tpu.memref_slice %arg5[%dma_wait3A_236, %dma_wait3A_237] : memref<1540x64xf32, #tpu.memory_space<hbm>> -> memref<128x64xf32, #tpu.memory_space<hbm>>
      tpu.wait_dma2 semaphore(%arg17 : memref<!tpu.dma_semaphore, #tpu.memory_space<semaphore_mem>>) src(%dma_wait3A_238 : memref<128x64xf32, #tpu.memory_space<hbm>>) dst(%dma_wait3A_235 : memref<128x64xf32, #tpu.memory_space<vmem>>)
      %mul3A_239 = arith.constant 128 : i32
      %mul3A_240 = arith.muli %arg1, %mul3A_239 : i32
      %run_scoped3A_241 = arith.constant 1 : i32
      %run_scoped3A_242 = arith.constant 0 : i32
      "tpu.region"() ({
        %run_scoped3A_250 = tpu.sem_alloc : memref<!tpu.dma_semaphore, #tpu.memory_space<semaphore_mem>>
        %dma_start3A_251 = arith.constant 0 : i32
        %dma_start3A_252 = arith.constant 0 : i32
        %dma_start3A_253 = tpu.memref_slice %arg14[%run_scoped3A_241, %run_scoped3A_242, %dma_start3A_251, %dma_start3A_252] : memref<2x3x128x64xf32, #tpu.memory_space<vmem>> -> memref<1x1x128x64xf32, #tpu.memory_space<vmem>>
        %dma_start3A_254 = tpu.memref_squeeze %dma_start3A_253 : memref<1x1x128x64xf32, #tpu.memory_space<vmem>> -> memref<128x64xf32, #tpu.memory_space<vmem>>
        %dma_start3A_255 = arith.constant 0 : i32
        %dma_start3A_256 = tpu.memref_slice %arg15[%mul3A_240, %dma_start3A_255] : memref<2048x64xf32, #tpu.memory_space<vmem_shared>> -> memref<128x64xf32, #tpu.memory_space<vmem_shared>>
        %dma_start3A_257 = arith.constant 0 : i32
        %dma_start3A_258 = tpu.memref_slice %arg15[%mul3A_240, %dma_start3A_257] : memref<2048x64xf32, #tpu.memory_space<vmem_shared>> -> memref<128x64xf32, #tpu.memory_space<vmem_shared>>
        %dma_start3A_259 = arith.constant 0 : i32
        %dma_start3A_260 = arith.constant 0 : i32
        %dma_start3A_261 = tpu.memref_slice %arg14[%run_scoped3A_241, %run_scoped3A_242, %dma_start3A_259, %dma_start3A_260] : memref<2x3x128x64xf32, #tpu.memory_space<vmem>> -> memref<1x1x128x64xf32, #tpu.memory_space<vmem>>
        %dma_start3A_262 = tpu.memref_squeeze %dma_start3A_261 : memref<1x1x128x64xf32, #tpu.memory_space<vmem>> -> memref<128x64xf32, #tpu.memory_space<vmem>>
        tpu.enqueue_dma source(%dma_start3A_262 : memref<128x64xf32, #tpu.memory_space<vmem>>) target(%dma_start3A_258 : memref<128x64xf32, #tpu.memory_space<vmem_shared>>) target_semaphore(%run_scoped3A_250 : memref<!tpu.dma_semaphore, #tpu.memory_space<semaphore_mem>>)
        %dma_wait3A_263 = arith.constant 0 : i32
        %dma_wait3A_264 = arith.constant 0 : i32
        %dma_wait3A_265 = tpu.memref_slice %arg14[%run_scoped3A_241, %run_scoped3A_242, %dma_wait3A_263, %dma_wait3A_264] : memref<2x3x128x64xf32, #tpu.memory_space<vmem>> -> memref<1x1x128x64xf32, #tpu.memory_space<vmem>>
        %dma_wait3A_266 = tpu.memref_squeeze %dma_wait3A_265 : memref<1x1x128x64xf32, #tpu.memory_space<vmem>> -> memref<128x64xf32, #tpu.memory_space<vmem>>
        %dma_wait3A_267 = arith.constant 0 : i32
        %dma_wait3A_268 = tpu.memref_slice %arg15[%mul3A_240, %dma_wait3A_267] : memref<2048x64xf32, #tpu.memory_space<vmem_shared>> -> memref<128x64xf32, #tpu.memory_space<vmem_shared>>
        %dma_wait3A_269 = arith.constant 0 : i32
        %dma_wait3A_270 = tpu.memref_slice %arg15[%mul3A_240, %dma_wait3A_269] : memref<2048x64xf32, #tpu.memory_space<vmem_shared>> -> memref<128x64xf32, #tpu.memory_space<vmem_shared>>
        %dma_wait3A_271 = arith.constant 0 : i32
        %dma_wait3A_272 = arith.constant 0 : i32
        %dma_wait3A_273 = tpu.memref_slice %arg14[%run_scoped3A_241, %run_scoped3A_242, %dma_wait3A_271, %dma_wait3A_272] : memref<2x3x128x64xf32, #tpu.memory_space<vmem>> -> memref<1x1x128x64xf32, #tpu.memory_space<vmem>>
        %dma_wait3A_274 = tpu.memref_squeeze %dma_wait3A_273 : memref<1x1x128x64xf32, #tpu.memory_space<vmem>> -> memref<128x64xf32, #tpu.memory_space<vmem>>
        tpu.wait_dma2 semaphore(%run_scoped3A_250 : memref<!tpu.dma_semaphore, #tpu.memory_space<semaphore_mem>>) src(%dma_wait3A_274 : memref<128x64xf32, #tpu.memory_space<vmem>>) dst(%dma_wait3A_270 : memref<128x64xf32, #tpu.memory_space<vmem_shared>>)
        tpu.yield
      }) : () -> ()
      %run_scoped3A_243 = arith.constant 1 : i32
      %run_scoped3A_244 = arith.constant 1 : i32
      "tpu.region"() ({
        %run_scoped3A_250 = tpu.sem_alloc : memref<!tpu.dma_semaphore, #tpu.memory_space<semaphore_mem>>
        %dma_start3A_251 = arith.constant 0 : i32
        %dma_start3A_252 = arith.constant 0 : i32
        %dma_start3A_253 = tpu.memref_slice %arg14[%run_scoped3A_243, %run_scoped3A_244, %dma_start3A_251, %dma_start3A_252] : memref<2x3x128x64xf32, #tpu.memory_space<vmem>> -> memref<1x1x128x64xf32, #tpu.memory_space<vmem>>
        %dma_start3A_254 = tpu.memref_squeeze %dma_start3A_253 : memref<1x1x128x64xf32, #tpu.memory_space<vmem>> -> memref<128x64xf32, #tpu.memory_space<vmem>>
        %dma_start3A_255 = arith.constant 0 : i32
        %dma_start3A_256 = arith.constant 0 : i32
        %dma_start3A_257 = tpu.memref_slice %arg15[%dma_start3A_255, %dma_start3A_256] : memref<2048x64xf32, #tpu.memory_space<vmem_shared>> -> memref<2048x64xf32, #tpu.memory_space<vmem_shared>>
        tpu.enqueue_indirect_dma source(%dma_start3A_254 : memref<128x64xf32, #tpu.memory_space<vmem>>) target(%dma_start3A_257 : memref<2048x64xf32, #tpu.memory_space<vmem_shared>>) offsets(%arg13 : memref<128xi32, #tpu.memory_space<vmem>>) semaphore(%run_scoped3A_250 : memref<!tpu.dma_semaphore, #tpu.memory_space<semaphore_mem>>) {add = true}
        %dma_wait3A_258 = arith.constant 0 : i32
        %dma_wait3A_259 = arith.constant 0 : i32
        %dma_wait3A_260 = tpu.memref_slice %arg14[%run_scoped3A_243, %run_scoped3A_244, %dma_wait3A_258, %dma_wait3A_259] : memref<2x3x128x64xf32, #tpu.memory_space<vmem>> -> memref<1x1x128x64xf32, #tpu.memory_space<vmem>>
        %dma_wait3A_261 = tpu.memref_squeeze %dma_wait3A_260 : memref<1x1x128x64xf32, #tpu.memory_space<vmem>> -> memref<128x64xf32, #tpu.memory_space<vmem>>
        %dma_wait3A_262 = arith.constant 0 : i32
        %dma_wait3A_263 = arith.constant 0 : i32
        %dma_wait3A_264 = tpu.memref_slice %arg15[%dma_wait3A_262, %dma_wait3A_263] : memref<2048x64xf32, #tpu.memory_space<vmem_shared>> -> memref<2048x64xf32, #tpu.memory_space<vmem_shared>>
        tpu.wait_indirect_dma semaphore(%run_scoped3A_250 : memref<!tpu.dma_semaphore, #tpu.memory_space<semaphore_mem>>) src(%dma_wait3A_261 : memref<128x64xf32, #tpu.memory_space<vmem>>) dst(%dma_wait3A_264 : memref<2048x64xf32, #tpu.memory_space<vmem_shared>>)
        tpu.yield
      }) : () -> ()
      %run_scoped3A_245 = arith.constant 1 : i32
      %run_scoped3A_246 = arith.constant 2 : i32
      "tpu.region"() ({
        %run_scoped3A_250 = tpu.sem_alloc : memref<!tpu.dma_semaphore, #tpu.memory_space<semaphore_mem>>
        %dma_start3A_251 = arith.constant 0 : i32
        %dma_start3A_252 = arith.constant 0 : i32
        %dma_start3A_253 = tpu.memref_slice %arg14[%run_scoped3A_245, %run_scoped3A_246, %dma_start3A_251, %dma_start3A_252] : memref<2x3x128x64xf32, #tpu.memory_space<vmem>> -> memref<1x1x128x64xf32, #tpu.memory_space<vmem>>
        %dma_start3A_254 = tpu.memref_squeeze %dma_start3A_253 : memref<1x1x128x64xf32, #tpu.memory_space<vmem>> -> memref<128x64xf32, #tpu.memory_space<vmem>>
        %dma_start3A_255 = arith.constant 0 : i32
        %dma_start3A_256 = arith.constant 0 : i32
        %dma_start3A_257 = tpu.memref_slice %arg15[%dma_start3A_255, %dma_start3A_256] : memref<2048x64xf32, #tpu.memory_space<vmem_shared>> -> memref<2048x64xf32, #tpu.memory_space<vmem_shared>>
        tpu.enqueue_indirect_dma source(%dma_start3A_254 : memref<128x64xf32, #tpu.memory_space<vmem>>) target(%dma_start3A_257 : memref<2048x64xf32, #tpu.memory_space<vmem_shared>>) offsets(%arg13 : memref<128xi32, #tpu.memory_space<vmem>>) semaphore(%run_scoped3A_250 : memref<!tpu.dma_semaphore, #tpu.memory_space<semaphore_mem>>) {add = true}
        %dma_wait3A_258 = arith.constant 0 : i32
        %dma_wait3A_259 = arith.constant 0 : i32
        %dma_wait3A_260 = tpu.memref_slice %arg14[%run_scoped3A_245, %run_scoped3A_246, %dma_wait3A_258, %dma_wait3A_259] : memref<2x3x128x64xf32, #tpu.memory_space<vmem>> -> memref<1x1x128x64xf32, #tpu.memory_space<vmem>>
        %dma_wait3A_261 = tpu.memref_squeeze %dma_wait3A_260 : memref<1x1x128x64xf32, #tpu.memory_space<vmem>> -> memref<128x64xf32, #tpu.memory_space<vmem>>
        %dma_wait3A_262 = arith.constant 0 : i32
        %dma_wait3A_263 = arith.constant 0 : i32
        %dma_wait3A_264 = tpu.memref_slice %arg15[%dma_wait3A_262, %dma_wait3A_263] : memref<2048x64xf32, #tpu.memory_space<vmem_shared>> -> memref<2048x64xf32, #tpu.memory_space<vmem_shared>>
        tpu.wait_indirect_dma semaphore(%run_scoped3A_250 : memref<!tpu.dma_semaphore, #tpu.memory_space<semaphore_mem>>) src(%dma_wait3A_261 : memref<128x64xf32, #tpu.memory_space<vmem>>) dst(%dma_wait3A_264 : memref<2048x64xf32, #tpu.memory_space<vmem_shared>>)
        tpu.yield
      }) : () -> ()
      %mul3A_247 = arith.constant 128 : i32
      %mul3A_248 = arith.muli %add3A_185, %mul3A_247 : i32
      %add3A_249 = arith.addi %mul3A_2, %mul3A_248 : i32
      "tpu.region"() ({
        %run_scoped3A_250 = tpu.sem_alloc : memref<!tpu.dma_semaphore, #tpu.memory_space<semaphore_mem>>
        %dma_start3A_251 = arith.constant 0 : i32
        %dma_start3A_252 = tpu.memref_slice %arg9[%add3A_249, %dma_start3A_251] : memref<204800x128xf32, #tpu.memory_space<hbm>> -> memref<128x64xf32, #tpu.memory_space<hbm>>
        %dma_start3A_253 = arith.constant 0 : i32
        %dma_start3A_254 = tpu.memref_slice %arg15[%mul3A_240, %dma_start3A_253] : memref<2048x64xf32, #tpu.memory_space<vmem_shared>> -> memref<128x64xf32, #tpu.memory_space<vmem_shared>>
        tpu.enqueue_dma source(%dma_start3A_254 : memref<128x64xf32, #tpu.memory_space<vmem_shared>>) target(%dma_start3A_252 : memref<128x64xf32, #tpu.memory_space<hbm>>) target_semaphore(%run_scoped3A_250 : memref<!tpu.dma_semaphore, #tpu.memory_space<semaphore_mem>>)
        %dma_wait3A_255 = arith.constant 0 : i32
        %dma_wait3A_256 = tpu.memref_slice %arg9[%add3A_249, %dma_wait3A_255] : memref<204800x128xf32, #tpu.memory_space<hbm>> -> memref<128x64xf32, #tpu.memory_space<hbm>>
        %dma_wait3A_257 = arith.constant 0 : i32
        %dma_wait3A_258 = tpu.memref_slice %arg15[%mul3A_240, %dma_wait3A_257] : memref<2048x64xf32, #tpu.memory_space<vmem_shared>> -> memref<128x64xf32, #tpu.memory_space<vmem_shared>>
        tpu.wait_dma2 semaphore(%run_scoped3A_250 : memref<!tpu.dma_semaphore, #tpu.memory_space<semaphore_mem>>) src(%dma_wait3A_258 : memref<128x64xf32, #tpu.memory_space<vmem_shared>>) dst(%dma_wait3A_256 : memref<128x64xf32, #tpu.memory_space<hbm>>)
        tpu.yield
      }) : () -> ()
    }
    %scan3A_119 = arith.constant 25 : i32
    return
  }
}

module attributes {stable_mosaic.version = 14 : i64} {
  func.func @_proj_body(%arg0: memref<770x42xf32, #tpu.memory_space<vmem>>, %arg1: memref<4728x42xf32, #tpu.memory_space<vmem>>, %arg2: memref<457x42xf32, #tpu.memory_space<vmem>>, %arg3: memref<3x21xf32, #tpu.memory_space<vmem>>, %arg4: memref<10x5xf32, #tpu.memory_space<vmem>>, %arg5: memref<42x128xf32, #tpu.memory_space<vmem>>, %arg6: memref<42x128xf32, #tpu.memory_space<vmem>>, %arg7: memref<42x128xf32, #tpu.memory_space<vmem>>, %arg8: memref<21x64xf32, #tpu.memory_space<vmem>>, %arg9: memref<5x64xf32, #tpu.memory_space<vmem>>, %arg10: memref<770x128xf32, #tpu.memory_space<vmem>>, %arg11: memref<4728x128xf32, #tpu.memory_space<vmem>>, %arg12: memref<457x128xf32, #tpu.memory_space<vmem>>, %arg13: memref<3x64xf32, #tpu.memory_space<vmem>>, %arg14: memref<10x64xf32, #tpu.memory_space<vmem>>) attributes {dimension_semantics = [], scalar_prefetch = 0 : i64, scratch_operands = 0 : i64, tpu.core_type = #tpu.core_type<tc>} {
    %get3A = arith.constant 0 : index
    %get3A_0 = arith.constant 0 : index
    %get3A_1 = vector.load %arg0[%get3A, %get3A_0] : memref<770x42xf32, #tpu.memory_space<vmem>>, vector<770x42xf32>
    %get3A_2 = arith.constant 0 : index
    %get3A_3 = arith.constant 0 : index
    %get3A_4 = vector.load %arg5[%get3A_2, %get3A_3] : memref<42x128xf32, #tpu.memory_space<vmem>>, vector<42x128xf32>
    %dot_general3A = arith.constant dense<0.000000e+00> : vector<770x128xf32>
    %dot_general3A_5 = tpu.matmul %get3A_1, %get3A_4, %dot_general3A {dimension_numbers = #tpu.dot_dimension_numbers<[1], [0], [0], [1], [0, 0, 1, 1], [], []>, transpose_lhs_hint = false} : vector<770x42xf32>, vector<42x128xf32>, vector<770x128xf32> -> vector<770x128xf32>
    %swap3A = arith.constant 0 : index
    %swap3A_6 = arith.constant 0 : index
    %swap3A_7 = vector.load %arg10[%swap3A, %swap3A_6] : memref<770x128xf32, #tpu.memory_space<vmem>>, vector<770x128xf32>
    tpu.vector_store %arg10[%swap3A, %swap3A_6], %dot_general3A_5 {strides = array<i32>} : memref<770x128xf32, #tpu.memory_space<vmem>>, vector<770x128xf32>,
    %get3A_8 = arith.constant 0 : index
    %get3A_9 = arith.constant 0 : index
    %get3A_10 = vector.load %arg1[%get3A_8, %get3A_9] : memref<4728x42xf32, #tpu.memory_space<vmem>>, vector<4728x42xf32>
    %get3A_11 = arith.constant 0 : index
    %get3A_12 = arith.constant 0 : index
    %get3A_13 = vector.load %arg6[%get3A_11, %get3A_12] : memref<42x128xf32, #tpu.memory_space<vmem>>, vector<42x128xf32>
    %dot_general3A_14 = arith.constant dense<0.000000e+00> : vector<4728x128xf32>
    %dot_general3A_15 = tpu.matmul %get3A_10, %get3A_13, %dot_general3A_14 {dimension_numbers = #tpu.dot_dimension_numbers<[1], [0], [0], [1], [0, 0, 1, 1], [], []>, transpose_lhs_hint = false} : vector<4728x42xf32>, vector<42x128xf32>, vector<4728x128xf32> -> vector<4728x128xf32>
    %swap3A_16 = arith.constant 0 : index
    %swap3A_17 = arith.constant 0 : index
    %swap3A_18 = vector.load %arg11[%swap3A_16, %swap3A_17] : memref<4728x128xf32, #tpu.memory_space<vmem>>, vector<4728x128xf32>
    tpu.vector_store %arg11[%swap3A_16, %swap3A_17], %dot_general3A_15 {strides = array<i32>} : memref<4728x128xf32, #tpu.memory_space<vmem>>, vector<4728x128xf32>,
    %get3A_19 = arith.constant 0 : index
    %get3A_20 = arith.constant 0 : index
    %get3A_21 = vector.load %arg2[%get3A_19, %get3A_20] : memref<457x42xf32, #tpu.memory_space<vmem>>, vector<457x42xf32>
    %get3A_22 = arith.constant 0 : index
    %get3A_23 = arith.constant 0 : index
    %get3A_24 = vector.load %arg7[%get3A_22, %get3A_23] : memref<42x128xf32, #tpu.memory_space<vmem>>, vector<42x128xf32>
    %dot_general3A_25 = arith.constant dense<0.000000e+00> : vector<457x128xf32>
    %dot_general3A_26 = tpu.matmul %get3A_21, %get3A_24, %dot_general3A_25 {dimension_numbers = #tpu.dot_dimension_numbers<[1], [0], [0], [1], [0, 0, 1, 1], [], []>, transpose_lhs_hint = false} : vector<457x42xf32>, vector<42x128xf32>, vector<457x128xf32> -> vector<457x128xf32>
    %swap3A_27 = arith.constant 0 : index
    %swap3A_28 = arith.constant 0 : index
    %swap3A_29 = vector.load %arg12[%swap3A_27, %swap3A_28] : memref<457x128xf32, #tpu.memory_space<vmem>>, vector<457x128xf32>
    tpu.vector_store %arg12[%swap3A_27, %swap3A_28], %dot_general3A_26 {strides = array<i32>} : memref<457x128xf32, #tpu.memory_space<vmem>>, vector<457x128xf32>,
    %get3A_30 = arith.constant 0 : index
    %get3A_31 = arith.constant 0 : index
    %get3A_32 = vector.load %arg3[%get3A_30, %get3A_31] : memref<3x21xf32, #tpu.memory_space<vmem>>, vector<3x21xf32>
    %get3A_33 = arith.constant 0 : index
    %get3A_34 = arith.constant 0 : index
    %get3A_35 = vector.load %arg8[%get3A_33, %get3A_34] : memref<21x64xf32, #tpu.memory_space<vmem>>, vector<21x64xf32>
    %dot_general3A_36 = arith.constant dense<0.000000e+00> : vector<3x64xf32>
    %dot_general3A_37 = tpu.matmul %get3A_32, %get3A_35, %dot_general3A_36 {dimension_numbers = #tpu.dot_dimension_numbers<[1], [0], [0], [1], [0, 0, 1, 1], [], []>, transpose_lhs_hint = false} : vector<3x21xf32>, vector<21x64xf32>, vector<3x64xf32> -> vector<3x64xf32>
    %swap3A_38 = arith.constant 0 : index
    %swap3A_39 = arith.constant 0 : index
    %swap3A_40 = vector.load %arg13[%swap3A_38, %swap3A_39] : memref<3x64xf32, #tpu.memory_space<vmem>>, vector<3x64xf32>
    tpu.vector_store %arg13[%swap3A_38, %swap3A_39], %dot_general3A_37 {strides = array<i32>} : memref<3x64xf32, #tpu.memory_space<vmem>>, vector<3x64xf32>,
    %get3A_41 = arith.constant 0 : index
    %get3A_42 = arith.constant 0 : index
    %get3A_43 = vector.load %arg4[%get3A_41, %get3A_42] : memref<10x5xf32, #tpu.memory_space<vmem>>, vector<10x5xf32>
    %get3A_44 = arith.constant 0 : index
    %get3A_45 = arith.constant 0 : index
    %get3A_46 = vector.load %arg9[%get3A_44, %get3A_45] : memref<5x64xf32, #tpu.memory_space<vmem>>, vector<5x64xf32>
    %dot_general3A_47 = arith.constant dense<0.000000e+00> : vector<10x64xf32>
    %dot_general3A_48 = tpu.matmul %get3A_43, %get3A_46, %dot_general3A_47 {dimension_numbers = #tpu.dot_dimension_numbers<[1], [0], [0], [1], [0, 0, 1, 1], [], []>, transpose_lhs_hint = false} : vector<10x5xf32>, vector<5x64xf32>, vector<10x64xf32> -> vector<10x64xf32>
    %swap3A_49 = arith.constant 0 : index
    %swap3A_50 = arith.constant 0 : index
    %swap3A_51 = vector.load %arg14[%swap3A_49, %swap3A_50] : memref<10x64xf32, #tpu.memory_space<vmem>>, vector<10x64xf32>
    tpu.vector_store %arg14[%swap3A_49, %swap3A_50], %dot_general3A_48 {strides = array<i32>} : memref<10x64xf32, #tpu.memory_space<vmem>>, vector<10x64xf32>,
    return
  }
}

module attributes {stable_mosaic.version = 14 : i64} {
  func.func @_dense_body(%arg0: i32, %arg1: memref<14x4096xf32, #tpu.memory_space<vmem>>, %arg2: memref<4096x128xf32, #tpu.memory_space<vmem>>, %arg3: memref<14x60xf32, #tpu.memory_space<vmem>>, %arg4: memref<1x60xf32, #tpu.memory_space<vmem>>, %arg5: memref<60x64xf32, #tpu.memory_space<vmem>>, %arg6: memref<3x64xf32, #tpu.memory_space<vmem>>, %arg7: memref<10x64xf32, #tpu.memory_space<vmem>>, %arg8: memref<1x64xf32, #tpu.memory_space<vmem>>, %arg9: memref<4096x64xf32, #tpu.memory_space<vmem>>) attributes {dimension_semantics = [#tpu.dimension_semantics<arbitrary>], iteration_bounds = array<i64: 50>, scalar_prefetch = 0 : i64, scratch_operands = 0 : i64, tpu.core_type = #tpu.core_type<tc>, window_params = [{transform_indices = @transform_0, window_bounds = array<i64: 14, 4096>}, {transform_indices = @transform_1, window_bounds = array<i64: 4096, 128>}, {pipeline_mode = #tpu.pipeline_mode<synchronous>, transform_indices = @transform_2, window_bounds = array<i64: 14, 60>}, {pipeline_mode = #tpu.pipeline_mode<synchronous>, transform_indices = @transform_3, window_bounds = array<i64: 1, 60>}, {pipeline_mode = #tpu.pipeline_mode<synchronous>, transform_indices = @transform_4, window_bounds = array<i64: 60, 64>}, {pipeline_mode = #tpu.pipeline_mode<synchronous>, transform_indices = @transform_5, window_bounds = array<i64: 3, 64>}, {pipeline_mode = #tpu.pipeline_mode<synchronous>, transform_indices = @transform_6, window_bounds = array<i64: 10, 64>}, {pipeline_mode = #tpu.pipeline_mode<synchronous>, transform_indices = @transform_7, window_bounds = array<i64: 1, 64>}, {transform_indices = @transform_8, window_bounds = array<i64: 4096, 64>}]} {
    %get3A = arith.constant 0 : index
    %get3A_0 = arith.constant 0 : index
    %get3A_1 = vector.load %arg1[%get3A, %get3A_0] : memref<14x4096xf32, #tpu.memory_space<vmem>>, vector<14x4096xf32>
    %get3A_2 = arith.constant 0 : index
    %get3A_3 = arith.constant 0 : index
    %get3A_4 = vector.load %arg3[%get3A_2, %get3A_3] : memref<14x60xf32, #tpu.memory_space<vmem>>, vector<14x60xf32>
    %dot_general3A = arith.constant dense<0.000000e+00> : vector<4096x60xf32>
    %dot_general3A_5 = tpu.matmul %get3A_1, %get3A_4, %dot_general3A {dimension_numbers = #tpu.dot_dimension_numbers<[0], [0], [1], [1], [0, 1, 1, 1], [], []>, transpose_lhs_hint = false} : vector<14x4096xf32>, vector<14x60xf32>, vector<4096x60xf32> -> vector<4096x60xf32>
    %get3A_6 = arith.constant 0 : index
    %get3A_7 = arith.constant 0 : index
    %get3A_8 = vector.load %arg4[%get3A_6, %get3A_7] : memref<1x60xf32, #tpu.memory_space<vmem>>, vector<1x60xf32>
    %add3A = vector.broadcast %get3A_8 : vector<1x60xf32> to vector<4096x60xf32>
    %add3A_9 = arith.addf %dot_general3A_5, %add3A : vector<4096x60xf32>
    %logistic3A = arith.negf %add3A_9 : vector<4096x60xf32>
    %logistic3A_10 = math.exp %logistic3A : vector<4096x60xf32>
    %logistic3A_11 = arith.constant 1.000000e+00 : f32
    %logistic3A_12 = vector.broadcast %logistic3A_11 : f32 to vector<4096x60xf32>
    %logistic3A_13 = arith.addf %logistic3A_12, %logistic3A_10 : vector<4096x60xf32>
    %logistic3A_14 = arith.divf %logistic3A_12, %logistic3A_13 : vector<4096x60xf32>
    %get3A_15 = arith.constant 0 : index
    %get3A_16 = arith.constant 0 : index
    %get3A_17 = vector.load %arg5[%get3A_15, %get3A_16] : memref<60x64xf32, #tpu.memory_space<vmem>>, vector<60x64xf32>
    %dot_general3A_18 = arith.constant dense<0.000000e+00> : vector<4096x64xf32>
    %dot_general3A_19 = tpu.matmul %logistic3A_14, %get3A_17, %dot_general3A_18 {dimension_numbers = #tpu.dot_dimension_numbers<[1], [0], [0], [1], [0, 0, 1, 1], [], []>, transpose_lhs_hint = false} : vector<4096x60xf32>, vector<60x64xf32>, vector<4096x64xf32> -> vector<4096x64xf32>
    %get3A_20 = arith.constant 0 : index
    %get3A_21 = arith.constant 0 : index
    %get3A_22 = vector.load %arg8[%get3A_20, %get3A_21] : memref<1x64xf32, #tpu.memory_space<vmem>>, vector<1x64xf32>
    %add3A_23 = vector.broadcast %get3A_22 : vector<1x64xf32> to vector<4096x64xf32>
    %add3A_24 = arith.addf %dot_general3A_19, %add3A_23 : vector<4096x64xf32>
    %get3A_25 = arith.constant 0 : index
    %get3A_26 = arith.constant 0 : index
    %get3A_27 = vector.load %arg2[%get3A_25, %get3A_26] : memref<4096x128xf32, #tpu.memory_space<vmem>>, vector<4096x64xf32>
    %add3A_28 = arith.addf %add3A_24, %get3A_27 : vector<4096x64xf32>
    %slice3A = vector.extract_strided_slice %get3A_1 {offsets = [12, 0], sizes = [1, 4096], strides = [1, 1]} : vector<14x4096xf32> to vector<1x4096xf32>
    %slice3A_29 = vector.extract_strided_slice %get3A_1 {offsets = [13, 0], sizes = [1, 4096], strides = [1, 1]} : vector<14x4096xf32> to vector<1x4096xf32>
    %iota3A = tpu.iota {dimensions = array<i32: 0>} : vector<3x4096xi32>
    %convert_element_type3A = arith.sitofp %iota3A : vector<3x4096xi32> to vector<3x4096xf32>
    %iota3A_30 = tpu.iota {dimensions = array<i32: 0>} : vector<10x4096xi32>
    %convert_element_type3A_31 = arith.sitofp %iota3A_30 : vector<10x4096xi32> to vector<10x4096xf32>
    %eq3A = vector.broadcast %slice3A : vector<1x4096xf32> to vector<3x4096xf32>
    %eq3A_32 = arith.cmpf oeq, %eq3A, %convert_element_type3A : vector<3x4096xf32>
    %jit3A = arith.constant 1.000000e+00 : f32
    %jit3A_33 = arith.constant 0.000000e+00 : f32
    %broadcast_in_dim3A = vector.broadcast %jit3A : f32 to vector<3x4096xf32>
    %broadcast_in_dim3A_34 = vector.broadcast %jit3A_33 : f32 to vector<3x4096xf32>
    %select_n3A = arith.select %eq3A_32, %broadcast_in_dim3A, %broadcast_in_dim3A_34 : vector<3x4096xi1>, vector<3x4096xf32>
    %eq3A_35 = vector.broadcast %slice3A_29 : vector<1x4096xf32> to vector<10x4096xf32>
    %eq3A_36 = arith.cmpf oeq, %eq3A_35, %convert_element_type3A_31 : vector<10x4096xf32>
    %jit3A_37 = arith.constant 1.000000e+00 : f32
    %jit3A_38 = arith.constant 0.000000e+00 : f32
    %broadcast_in_dim3A_39 = vector.broadcast %jit3A_37 : f32 to vector<10x4096xf32>
    %broadcast_in_dim3A_40 = vector.broadcast %jit3A_38 : f32 to vector<10x4096xf32>
    %select_n3A_41 = arith.select %eq3A_36, %broadcast_in_dim3A_39, %broadcast_in_dim3A_40 : vector<10x4096xi1>, vector<10x4096xf32>
    %get3A_42 = arith.constant 0 : index
    %get3A_43 = arith.constant 0 : index
    %get3A_44 = vector.load %arg6[%get3A_42, %get3A_43] : memref<3x64xf32, #tpu.memory_space<vmem>>, vector<3x64xf32>
    %dot_general3A_45 = arith.constant dense<0.000000e+00> : vector<4096x64xf32>
    %dot_general3A_46 = tpu.matmul %select_n3A, %get3A_44, %dot_general3A_45 {dimension_numbers = #tpu.dot_dimension_numbers<[0], [0], [1], [1], [0, 1, 1, 1], [], []>, transpose_lhs_hint = false} : vector<3x4096xf32>, vector<3x64xf32>, vector<4096x64xf32> -> vector<4096x64xf32>
    %add3A_47 = arith.addf %add3A_28, %dot_general3A_46 : vector<4096x64xf32>
    %get3A_48 = arith.constant 0 : index
    %get3A_49 = arith.constant 0 : index
    %get3A_50 = vector.load %arg7[%get3A_48, %get3A_49] : memref<10x64xf32, #tpu.memory_space<vmem>>, vector<10x64xf32>
    %dot_general3A_51 = arith.constant dense<0.000000e+00> : vector<4096x64xf32>
    %dot_general3A_52 = tpu.matmul %select_n3A_41, %get3A_50, %dot_general3A_51 {dimension_numbers = #tpu.dot_dimension_numbers<[0], [0], [1], [1], [0, 1, 1, 1], [], []>, transpose_lhs_hint = false} : vector<10x4096xf32>, vector<10x64xf32>, vector<4096x64xf32> -> vector<4096x64xf32>
    %add3A_53 = arith.addf %add3A_47, %dot_general3A_52 : vector<4096x64xf32>
    %swap3A = arith.constant 0 : index
    %swap3A_54 = arith.constant 0 : index
    %swap3A_55 = vector.load %arg9[%swap3A, %swap3A_54] : memref<4096x64xf32, #tpu.memory_space<vmem>>, vector<4096x64xf32>
    tpu.vector_store %arg9[%swap3A, %swap3A_54], %add3A_53 {strides = array<i32>} : memref<4096x64xf32, #tpu.memory_space<vmem>>, vector<4096x64xf32>,
    return
  }
  func.func @transform_0(%arg0: i32) -> (i32, i32) {
    %add3A = arith.constant 0 : i32
    %add3A_0 = arith.addi %arg0, %add3A : i32
    %c0_i32 = arith.constant 0 : i32
    %c0_i32_1 = arith.constant 0 : i32
    return %c0_i32, %add3A_0 : i32, i32
  }
  func.func @transform_1(%arg0: i32) -> (i32, i32) {
    %c0_i32 = arith.constant 0 : i32
    %c0_i32_0 = arith.constant 0 : i32
    return %arg0, %c0_i32 : i32, i32
  }
  func.func @transform_2(%arg0: i32) -> (i32, i32) {
    %c0_i32 = arith.constant 0 : i32
    %c0_i32_0 = arith.constant 0 : i32
    %c0_i32_1 = arith.constant 0 : i32
    return %c0_i32, %c0_i32_0 : i32, i32
  }
  func.func @transform_3(%arg0: i32) -> (i32, i32) {
    %c0_i32 = arith.constant 0 : i32
    %c0_i32_0 = arith.constant 0 : i32
    %c0_i32_1 = arith.constant 0 : i32
    return %c0_i32, %c0_i32_0 : i32, i32
  }
  func.func @transform_4(%arg0: i32) -> (i32, i32) {
    %c0_i32 = arith.constant 0 : i32
    %c0_i32_0 = arith.constant 0 : i32
    %c0_i32_1 = arith.constant 0 : i32
    return %c0_i32, %c0_i32_0 : i32, i32
  }
  func.func @transform_5(%arg0: i32) -> (i32, i32) {
    %c0_i32 = arith.constant 0 : i32
    %c0_i32_0 = arith.constant 0 : i32
    %c0_i32_1 = arith.constant 0 : i32
    return %c0_i32, %c0_i32_0 : i32, i32
  }
  func.func @transform_6(%arg0: i32) -> (i32, i32) {
    %c0_i32 = arith.constant 0 : i32
    %c0_i32_0 = arith.constant 0 : i32
    %c0_i32_1 = arith.constant 0 : i32
    return %c0_i32, %c0_i32_0 : i32, i32
  }
  func.func @transform_7(%arg0: i32) -> (i32, i32) {
    %c0_i32 = arith.constant 0 : i32
    %c0_i32_0 = arith.constant 0 : i32
    %c0_i32_1 = arith.constant 0 : i32
    return %c0_i32, %c0_i32_0 : i32, i32
  }
  func.func @transform_8(%arg0: i32) -> (i32, i32) {
    %c0_i32 = arith.constant 0 : i32
    %c0_i32_0 = arith.constant 0 : i32
    return %arg0, %c0_i32 : i32, i32
  }
}

</mosaic_0001>

<sc_bundles>
// kernel: kernel.5.cloned.1.call-start
scs
__scs_entry_jumppad:
0x0: {  	(pc) =	sbr.rel $0x88, $3  }
0x1: {  	(tag) =	ssettag $0x0;
	lr =	simm.s32 $0x1  }
0x2: {  	[smem:$0x3F87] =	sst lr;
	_ =	strace $0xD0000000  }
0x3: {  	_ = 	snop  }
0x4: {  	_ = 	snop  }
0x5: {  	_ = 	snop  }
0x6: {  	_ = 	snop  }
0x7: {  	_ = 	snop  }
__scs_overlays_trampoline_lowered:
0x8: {  	[smem:$0x3F96] =	sst s0  }
0x9: {  	[smem:$0x3F97] =	sst s1  }
0xa: {  	[smem:$0x3F98] =	sst s2  }
0xb: {  	[smem:$0x3F99] =	sst s3  }
0xc: {  	[smem:$0x3F9A] =	sst s4  }
0xd: {  	[smem:$0x3F9B] =	sst s5  }
0xe: {  	[smem:$0x3F9C] =	sst s6  }
0xf: {  	[smem:$0x3F9D] =	sst s7  }
0x10: {  	[smem:$0x3F9E] =	sst s8  }
0x11: {  	[smem:$0x3F9F] =	sst s9;
	s0 =	simm.s32 @!p0 $0x0  }
0x12: {  	s1 =	sld [smem:$0x3F85];
	s0 =	simm.s32 @p0 $0x1  }
0x13: {  	[smem:$0x3FA0] =	sst s0;
	s0 =	simm.s32 @!p1 $0x0  }
0x14: {  	s2 =	sld [smem:$0x3F84];
	s0 =	simm.s32 @p1 $0x1  }
0x15: {  	[smem:$0x3FA1] =	sst s0;
	s0 =	simm.s32 @!p2 $0x0  }
0x16: {  	s3 =	sld [smem:$0x3FDB];
	s0 =	simm.s32 @p2 $0x1  }
0x17: {  	s4 =	simm.s32 $0x1BF5;
	[smem:$0x3FA3] =	sst s0  }
0x18: {  	s0 =	sld [smem:$0x3F86];
	_ =	swait.ge [sflag:s4], $0x0  }
0x19: {  	s7 =	sld [smem:$0x3F87]  }
0x1a: {  	s8 =	sadd.s32 $0xFFFFE003, lr  }
0x1b: {  	s9 =	sadd.s32 $0xFFFFFEF7, lr;
	s5 =	simm.s32 $0xFFFFFFFF;
	p2 =	slt.u32 s8, $0xFFFFF086  }
0x1c: {  	p1 =	slt.u32 s9, $0xF7A;
	s5 =	simm.s32 @!p2 $0x0  }
0x1d: {  	s5 =	simm.s32 @p1 $0x1;
	p0 =	seq.s32 s7, s2  }
0x1e: {  	s7 =	smul.u32 @!p0 $0xF7A, s2;
	p2 =	seq.s32 @!p0 s5, $0x0  }
0x1f: {  	s9 =	smul.u32 $0xF7A, s1;
	s8 =	simm.s32 @!p0 $0x1BF5;
	p2 =	por !p2, p0  }
0x20: {  	[sflag:s8] =	ssyncset.s32 @!p0 $0xFFFFF086;
	s6 =	sadd.s32 @!p0 s3, s7;
	s7 =	simm.s32 @!p0 $0x108  }
0x21: {  	s3 =	sadd.s32 s3, s9;
	s6 =	sadd.s32 @!p0 $0x88, s6;
	s7 =	simm.s32 @p2 $0x1082  }
0x22: {  	[simem:s7], [sflag:s8] =	dma.local @!p0 [hbm:s6], $0xF7A  }
0x23: {  	s9 =	sor.u32 $0xD0000000, s2;
	s6 =	simm.s32 $0x108;
	_ =	swait.ge @!p0 [sflag:s8], $0x0  }
0x24: {  	s3 =	sadd.s32 $0x88, s3;
	s6 =	simm.s32 @!p1 $0x1082;
	[sflag:s4] =	ssyncset.s32 $0xFFFFF086  }
0x25: {  	[simem:s6], [sflag:s4] =	dma.local [hbm:s3], $0xF7A  }
0x26: {  	[smem:$0x3F87] =	sst s1;
	(tag) =	ssettag s2;
	_ =	strace s9  }
0x27: {  	s1 =	sld [smem:$0x3F97]  }
0x28: {  	s2 =	sld [smem:$0x3F98]  }
0x29: {  	s4 =	sld [smem:$0x3F9A]  }
0x2a: {  	p0 =	seq.s32 s5, $0x0;
	s5 =	sld [smem:$0x3F9B]  }
0x2b: {  	s6 =	sld [smem:$0x3F9C]  }
0x2c: {  	s7 =	sld [smem:$0x3F9D]  }
0x2d: {  	s3 =	simm.s32 $0x108;
	s8 =	sld [smem:$0x3F9E]  }
0x2e: {  	s3 =	simm.s32 @!p0 $0x1082;
	s9 =	sld [smem:$0x3F9F]  }
0x2f: {  	lr =	sadd.s32 s0, s3;
	s0 =	sld [smem:$0x3F96]  }
0x30: {  	s3 =	sld [smem:$0x3F99]  }
0x31: {  	[smem:$0x3FA2] =	sst s10  }
0x32: {  	s10 =	sld [smem:$0x3FA0];
	_ =	sdelay $0x3  }
0x33: {  	p0 =	seq.s32 s10, $0x1;
	s10 =	sld [smem:$0x3FA2];
	_ =	sdelay $0x3  }
0x34: {  	[smem:$0x3FA2] =	sst s10  }
0x35: {  	s10 =	sld [smem:$0x3FA1];
	_ =	sdelay $0x3  }
0x36: {  	p1 =	seq.s32 s10, $0x1;
	s10 =	sld [smem:$0x3FA2];
	_ =	sdelay $0x3  }
0x37: {  	[smem:$0x3FA2] =	sst s10  }
0x38: {  	s10 =	sld [smem:$0x3FA3]  }
0x39: {  	_ = 	snop;
	(pc) =	sbr.ind lr, $3  }
0x3a: {  	_ = 	snop  }
0x3b: {  	_ = 	snop  }
0x3c: {  	p2 =	seq.s32 s10, $0x1;
	s10 =	sld [smem:$0x3FA2]  }
0x3d: {  	_ =	shalt  }
0x3e: {  	_ =	shalt  }
0x3f: {  	_ =	shalt  }
0x40: {  	_ =	shalt  }
0x41: {  	_ =	shalt  }
0x42: {  	_ =	shalt  }
0x43: {  	_ =	shalt  }
0x44: {  	_ =	shalt  }
0x45: {  	_ =	shalt  }
0x46: {  	_ =	shalt  }
0x47: {  	_ =	shalt  }
0x48: {  	_ =	shalt  }
0x49: {  	_ =	shalt  }
0x4a: {  	_ =	shalt  }
0x4b: {  	_ =	shalt  }
0x4c: {  	_ =	shalt  }
0x4d: {  	_ =	shalt  }
0x4e: {  	_ =	shalt  }
0x4f: {  	_ =	shalt  }
0x50: {  	_ =	shalt  }
0x51: {  	_ =	shalt  }
0x52: {  	_ =	shalt  }
0x53: {  	_ =	shalt  }
0x54: {  	_ =	shalt  }
0x55: {  	_ =	shalt  }
0x56: {  	_ =	shalt  }
0x57: {  	_ =	shalt  }
0x58: {  	_ =	shalt  }
0x59: {  	_ =	shalt  }
0x5a: {  	_ =	shalt  }
0x5b: {  	_ =	shalt  }
0x5c: {  	_ =	shalt  }
0x5d: {  	_ =	shalt  }
0x5e: {  	_ =	shalt  }
0x5f: {  	_ =	shalt  }
0x60: {  	_ =	shalt  }
0x61: {  	_ =	shalt  }
0x62: {  	_ =	shalt  }
0x63: {  	_ =	shalt  }
0x64: {  	_ =	shalt  }
0x65: {  	_ =	shalt  }
0x66: {  	_ =	shalt  }
0x67: {  	_ =	shalt  }
0x68: {  	_ =	shalt  }
0x69: {  	_ =	shalt  }
0x6a: {  	_ =	shalt  }
0x6b: {  	_ =	shalt  }
0x6c: {  	_ =	shalt  }
0x6d: {  	_ =	shalt  }
0x6e: {  	_ =	shalt  }
0x6f: {  	_ =	shalt  }
0x70: {  	_ =	shalt  }
0x71: {  	_ =	shalt  }
0x72: {  	_ =	shalt  }
0x73: {  	_ =	shalt  }
0x74: {  	_ =	shalt  }
0x75: {  	_ =	shalt  }
0x76: {  	_ =	shalt  }
0x77: {  	_ =	shalt  }
0x78: {  	_ =	shalt  }
0x79: {  	_ =	shalt  }
0x7a: {  	_ =	shalt  }
0x7b: {  	_ =	shalt  }
0x7c: {  	_ =	shalt  }
0x7d: {  	_ =	shalt  }
0x7e: {  	_ =	shalt  }
0x7f: {  	_ =	shalt  }
0x80: {  	_ =	shalt  }
0x81: {  	_ =	shalt  }
0x82: {  	_ =	shalt  }
0x83: {  	_ =	shalt  }
0x84: {  	_ =	shalt  }
0x85: {  	_ =	shalt  }
0x86: {  	_ =	shalt  }
0x87: {  	_ =	shalt  }
.Lfunc_end0:
.L_simem_size_0:
called_computation.1_lowered:
.L_overlay_start_0:
0x88: {  	s2 =	sld [smem:$0x3FD9]  }
0x89: {  	s3 =	sld [smem:$0x3FFE];
	_ =	sdelay $0x1  }
0x8a: {  	s1 =	srdreg.scid  }
0x8b: {  	s0 =	sand.u32 $0x1, s1  }
0x8c: {  	s17 =	sshll.u32 s0, $0xA;
	s2 =	sadd.s32 s3, s2  }
0x8d: {  	s2 =	sadd.s32 s2, s17  }
0x8e: {  	[smem:$0x3FAE] =	sst s2  }
0x8f: {  	_ = 	snop  }
0x90: {  	s2 =	sld [smem:$0x3FD0];
	(tm) =	ssettm $0x1  }
0x91: {  	s18 =	sld [smem:$0x3FFB];
	_ =	sdelay $0x3  }
0x92: {  	_ =	strace s18  }
0x93: {  	s3 =	sld [smem:$0x3FFC];
	_ =	sdelay $0x3  }
0x94: {  	_ =	strace s3  }
0x95: {  	s3 =	sld [smem:$0x3FFD];
	_ =	sdelay $0x3  }
0x96: {  	_ =	strace s3  }
0x97: {  	_ =	strace $0x8FFFFFFF  }
0x98: {  	s19 =	sld [smem:$0x3FDB];
	_ =	sdelay $0x1  }
0x99: {  	s4 =	simm.s32 $_scs_section_size  }
0x9a: {  	s5 =	simm.s32 $_size__tile_overlayer_lowered;
	s6 =	simm.s32 $_tile_overlayer_lowered  }
0x9b: {  	s22 =	simm.s32 $0x1BFF;
	s21 =	sshll.u32 s6, $0x1;
	s3 =	sadd.s32 s4, s19  }
0x9c: {  	s7 =	simm.s32 $0x0;
	s20 =	sshll.u32 s5, $0x1;
	s5 =	sadd.s32 s21, s3  }
0x9d: {  	[timem:s7], [sflag:s22] =	dma.local [hbm:s5], s20  }
0x9e: {  	_ =	swait.ge [sflag:s22], s20  }
0x9f: {  	s4 =	ssub.s32 $0x0, s20;
	[sflag:s22] =	ssyncset.done $0x0  }
0xa0: {  	[sflag:s22] =	ssyncadd.s32 s4;
	_ =	sdelay $0x1  }
0xa1: {  	s23 =	simm.s32 $0x1B8B  }
0xa2: {  	_ =	swait.ge [sflag:s23], $0x1  }
0xa3: {  	[sflag:s23] =	ssyncset.done $0x0  }
0xa4: {  	s25 =	simm.s32 $0x1B8E;
	s24 =	sld [smem:$0x3FFE];
	[sflag:s23] =	ssyncadd.s32 $0xFFFFFFFF  }
0xa5: {  	s26 =	simm.s32 $execute0_lowered;
	[smem:$0x3FD2] =	sst s25  }
0xa6: {  	s5 =	sshll.u32 s26, $0x1;
	_ =	strace $0x80000046;
	[dreg:$0x1] =	wrdreg $0xFFFFFFFF  }
0xa7: {  	s28 =	simm.s32 $_size_execute0_lowered;
	s3 =	sadd.s32 s3, s5;
	[dreg:$0x0] =	wrdreg $0x0  }
0xa8: {  	s5 =	sshll.u32 s28, $0x1;
	[dreg:$0x2] =	wrdreg s3  }
0xa9: {  	[dreg:$0x3] =	wrdreg s5  }
0xaa: {  	[dreg:$0x4] =	wrdreg $0xC0  }
0xab: {  	_ =	task [dreg:s7], $0x5FFFF  }
0xac: {  	[dreg:$0x1] =	wrdreg $0xFFFFFFFF  }
0xad: {  	[dreg:$0x0] =	wrdreg $0x60  }
0xae: {  	[dreg:$0x2] =	wrdreg s24  }
0xaf: {  	[dreg:$0x3] =	wrdreg s2  }
0xb0: {  	[dreg:$0x4] =	wrdreg $0x10B800  }
0xb1: {  	[dreg:$0x5] =	wrdreg $0x9  }
0xb2: {  	_ =	task.clear_ibuf [dreg:s7], $0x6FFFF;
	_ =	strace $0x90000046  }
0xb3: {  	s29 =	simm.s32 $0x9;
	_ =	strace $0x80000048  }
0xb4: {  	_ =	swait.ge [sflag:s29], $0x1  }
0xb5: {  	[sflag:s29] =	ssyncadd.s32 $0xFFFFFFFF  }
0xb6: {  	_ =	strace $0x90000048  }
0xb7: {  	_ =	sfence  }
0xb8: {  	s30 =	sld [smem:$0x0];
	_ =	sdelay $0x2  }
0xb9: {  	s31 =	sshll.u32 s1, $0xD;
	s1 =	sshrl.u32 s1, $0x2  }
0xba: {  	s3 =	sand.u32 $0x4000, s31;
	s1 =	sadd.s32 s1, s30  }
0xbb: {  	s0 =	sor.u32 s3, s0;
	s1 =	sshll.u32 s1, $0x11  }
0xbc: {  	s0 =	sor.u32 s1, s0  }
0xbd: {  	s0 =	sadd.s32 $0x8F2B, s0  }
0xbe: {  	[sflag:s0] =	ssyncadd.remote.s32 $0x1  }
0xbf: {  	_ =	sfence.sel $0xFFFF  }
0xc0: {  	[dreg:$0x0] =	wrdreg $0xFFFFFFFF;
	(pc) =	sbr.abs _section_cstart, $3  }
0xc1: {  	[dreg:$0x1] =	wrdreg $0xFFFFFFFF  }
0xc2: {  	_ =	task.clear_ibuf [dreg:s7], $0x2FFFF;
	_ =	strace $0x9FFFFFFF  }
0xc3: {  	(tm) =	ssettm $0x7FFFFFFF  }
tec
execute0_lowered:
.L_overlay_start_1:
0x0: {  	(tag) =	ssettag $0x1  }
0x1: {  	s0 =	rddreg [dreg:$0x0]  }
0x2: {  	s2 =	rddreg [dreg:$0x1];
	s1 =	srdreg.scid  }
0x3: {  	s4 =	stileid.u32;
	s3 =	rddreg [dreg:$0x2]  }
0x4: {  	s6 =	simm.s32 $0x0;
	s18 =	simm.s32 $0x4B00;
	s19 =	simm.s32 $0x80  }
0x5: {  	s20 =	simm.s32 $0x4B80;
	s21 =	simm.s32 $0x6B80;
	s22 =	simm.s32 $0x8B80  }
0x6: {  	s23 =	simm.s32 $0xAB80;
	s24 =	simm.s32 $0xCB80;
	s28 =	simm.s32 $0x10  }
0x7: {  	s29 =	simm.s32 $0x8;
	s30 =	simm.s32 $0x2;
	s31 =	simm.s32 $0x0  }
0x8: {  	s1 =	sand.u32 $0x1, s1;
	s5 =	sshll.u32 s4, $0x1;
	[smem:$0x7FF] =	sst s6  }
0x9: {  	s6 =	sadd.s32 $0x19C00, s0;
	s8 =	sadd.s32 $0x1BA00, s0;
	s9 =	smul.u32 $0x190000, s4  }
0xa: {  	s16 =	sshll.u32 s4, $0xD;
	s17 =	sshll.u32 s4, $0x7;
	s5 =	sor.u32 s1, s5  }
0xb: {  	_ =	strace $0x80000047;
	s13 =	ssub.s32 $0x2, s1;
	s1 =	smul.u32 $0xC8000, s1  }
0xc: {  	[dreg:$0x4] =	wrdreg s8;
	s5 =	smul.u32 $0x320, s5;
	s10 =	sshrl.u32 s13, $0x1  }
0xd: {  	s11 =	sadd.s32 s16, s3;
	s8 =	ssub.s32 s13, s10;
	s1 =	sadd.s32 s1, s9  }
0xe: {  	s7 =	sadd.s32 s5, s0;
	s5 =	sadd.s32 $0x16A00, s0;
	s26 =	smax.u32 s8, $0x1  }
0xf: {  	s0 =	sadd.s32 $0x1BC00, s0;
	s14 =	sadd.s32 $0x3E00, s7;
	[dreg:$0x8] =	wrdreg s26  }
0x10: {  	s25 =	sor.u32 $0x4000, s1;
	s15 =	sadd.s32 $0xA200, s7;
	[dreg:$0x5] =	wrdreg s14  }
0x11: {  	s1 =	sshrl.u32 s1, $0x3;
	s7 =	sadd.s32 $0x10600, s7;
	[dreg:$0x6] =	wrdreg s15  }
0x12: {  	s1 =	sadd.s32 s1, s0;
	[dreg:$0x7] =	wrdreg s7;
	s7 =	sshrl.u32 s25, $0x3  }
0x13: {  	s26 =	simm.s32 $0x1;
	[dreg:$0x9] =	wrdreg s1;
	s0 =	sadd.s32 s7, s0  }
0x14: {  	v0 =	vmov s17;
	s15 =	simm.s32 $0x3;
	s25 =	simm.s32 $0xEB80;
	[dreg:$0xa] =	wrdreg s0  }
.LBB2_1:
0x15: {  	s0 =	simm.s32 $0x0;
	s1 =	rddreg [dreg:$0x5]  }
0x16: {  	[tilespmem:s0], [sflag:$0x3] =	stream.linear.gather [hbm4b:s1+s0], $0x1900, $0x38;
	[tilespmem:$0x12B80] =	vst v63  }
0x17: {  	_ =	swait.ge [sflag:s15], $0x1900  }
0x18: {  	[sflag:s15] =	ssyncset.done $0x0  }
0x19: {  	s4 =	simm.s32 $0x1900;
	s7 =	rddreg [dreg:$0x6];
	[sflag:s15] =	ssyncadd.s32 $0xFFFFE700  }
0x1a: {  	[tilespmem:s4], [sflag:$0x3] =	stream.linear.gather [hbm4b:s7+s0], $0x1900, $0x38;
	[tilespmem:$0x12B80] =	vst v63  }
0x1b: {  	_ =	swait.ge [sflag:s15], $0x1900  }
0x1c: {  	[sflag:s15] =	ssyncset.done $0x0  }
0x1d: {  	s7 =	simm.s32 $0x3200;
	s8 =	rddreg [dreg:$0x7];
	[sflag:s15] =	ssyncadd.s32 $0xFFFFE700  }
0x1e: {  	[tilespmem:s7], [sflag:$0x3] =	stream.linear.gather [hbm4b:s8+s0], $0x1900, $0x38;
	[tilespmem:$0x12B80] =	vst v63  }
0x1f: {  	_ =	swait.ge [sflag:s15], $0x1900  }
0x20: {  	[sflag:s15] =	ssyncset.done $0x0  }
0x21: {  	s9 =	rddreg [dreg:$0x4];
	[sflag:s15] =	ssyncadd.s32 $0xFFFFE700  }
0x22: {  	[tilespmem:s18], [sflag:$0x3] =	stream.linear.gather [hbm4b:s9+s0], $0x80, $0x38;
	[tilespmem:$0x12B80] =	vst v63  }
0x23: {  	_ =	swait.ge [sflag:s15], $0x80  }
0x24: {  	[sflag:s15] =	ssyncset.done $0x0  }
0x25: {  	[sflag:s15] =	ssyncadd.s32 $0xFFFFFF80  }
0x26: {  	v1 =	vld [tilespmem:$0x4B00]  }
0x27: {  	v2 =	vld [tilespmem:$0x4B10]  }
0x28: {  	v3 =	vld [tilespmem:$0x4B20]  }
0x29: {  	v4 =	vld [tilespmem:$0x4B30]  }
0x2a: {  	v5 =	vld [tilespmem:$0x4B40]  }
0x2b: {  	v6 =	vld [tilespmem:$0x4B50];
	v1 =	vadd.s32 v0, v1  }
0x2c: {  	[tilespmem:$0x4B00] =	vst v1;
	v1 =	vadd.s32 v0, v2;
	v2 =	vld [tilespmem:$0x4B60]  }
0x2d: {  	[tilespmem:$0x4B10] =	vst v1;
	v1 =	vadd.s32 v0, v3;
	v3 =	vld [tilespmem:$0x4B70]  }
0x2e: {  	[tilespmem:$0x4B20] =	vst v1;
	v1 =	vadd.s32 v0, v4  }
0x2f: {  	[tilespmem:$0x4B30] =	vst v1;
	v1 =	vadd.s32 v0, v5  }
0x30: {  	[tilespmem:$0x4B40] =	vst v1;
	v1 =	vadd.s32 v0, v6  }
0x31: {  	[tilespmem:$0x4B50] =	vst v1;
	v1 =	vadd.s32 v0, v2  }
0x32: {  	[tilespmem:$0x4B60] =	vst v1;
	v1 =	vadd.s32 v0, v3  }
0x33: {  	[tilespmem:$0x4B70] =	vst v1  }
0x34: {  	[tilespmem:s20], [sflag:$0x1] =	stream.indirect.gather [hbm4b:s5+s19], $0x40, s0, s19, $0xb8;
	[tilespmem:$0x12B80] =	vst v63  }
0x35: {  	_ = 	snop  }
0x36: {  	[tilespmem:s21], [sflag:$0x1] =	stream.indirect.gather [hbm4b:s2+s19], $0x40, s4, s19, $0xb8;
	[tilespmem:$0x12B80] =	vst v63  }
0x37: {  	_ = 	snop  }
0x38: {  	[tilespmem:s22], [sflag:$0x1] =	stream.indirect.gather [hbm4b:s6+s19], $0x40, s7, s19, $0xb8;
	[tilespmem:$0x12B80] =	vst v63  }
0x39: {  	s10 =	simm.s32 $0x80  }
0x3a: {  	[tilespmem:s23], [sflag:$0x2] =	stream.indirect.gather [hbm4b:s5+s19], $0x40, s10, s19, $0xb8;
	[tilespmem:$0x12B80] =	vst v63  }
0x3b: {  	s12 =	simm.s32 $0x1980  }
0x3c: {  	[tilespmem:s24], [sflag:$0x2] =	stream.indirect.gather [hbm4b:s2+s19], $0x40, s12, s19, $0xb8;
	[tilespmem:$0x12B80] =	vst v63  }
0x3d: {  	s13 =	simm.s32 $0x3280  }
0x3e: {  	[tilespmem:s25], [sflag:$0x2] =	stream.indirect.gather [hbm4b:s6+s19], $0x40, s13, s19, $0xb8;
	[tilespmem:$0x12B80] =	vst v63  }
0x3f: {  	_ =	swait.ge [sflag:s26], $0x2000  }
0x40: {  	[sflag:s26] =	ssyncset.done $0x0  }
0x41: {  	[sflag:s26] =	ssyncadd.s32 $0xFFFFE000  }
0x42: {  	_ =	swait.ge [sflag:s26], $0x2000  }
0x43: {  	[sflag:s26] =	ssyncset.done $0x0  }
0x44: {  	[sflag:s26] =	ssyncadd.s32 $0xFFFFE000  }
0x45: {  	_ =	swait.ge [sflag:s26], $0x2000  }
0x46: {  	[sflag:s26] =	ssyncset.done $0x0  }
0x47: {  	[sflag:s26] =	ssyncadd.s32 $0xFFFFE000  }
0x48: {  	[spmem:s11] =	stream.linear.scatter [tilespmem:s20], [sflag:$0x3], $0x2000, $0x38;
	[tilespmem:$0x12B80] =	vst v63  }
0x49: {  	_ =	swait.ge [sflag:s15], $0x2000  }
0x4a: {  	[sflag:s15] =	ssyncset.done $0x0  }
0x4b: {  	[sflag:s15] =	ssyncadd.s32 $0xFFFFE000  }
0x4c: {  	[spmem:s3] =	stream.indirect.scatter.add.f32 [tilespmem:s21], [sflag:$0x3], $0x40, s18, s19, $0xb8;
	[tilespmem:$0x12B80] =	vst v63  }
0x4d: {  	_ =	swait.ge [sflag:s15], $0x2000  }
0x4e: {  	[sflag:s15] =	ssyncset.done $0x0  }
0x4f: {  	s14 =	stileid.u32;
	[sflag:s15] =	ssyncadd.s32 $0xFFFFE000  }
0x50: {  	[spmem:s3] =	stream.indirect.scatter.add.f32 [tilespmem:s22], [sflag:$0x3], $0x40, s18, s19, $0xb8;
	[tilespmem:$0x12B80] =	vst v63  }
0x51: {  	s0 =	sshll.u32 s14, $0x6;
	_ =	swait.ge [sflag:s15], $0x2000  }
0x52: {  	s1 =	sor.u32 $0x1C03, s0;
	[sflag:s15] =	ssyncset.done $0x0  }
0x53: {  	s0 =	sshrl.u32 s11, $0x3;
	s16 =	rddreg [dreg:$0x9];
	[sflag:s15] =	ssyncadd.s32 $0xFFFFE000  }
0x54: {  	[hbm:s16@s28], [sflag:s1] =	dma.strided [spmem:s0@s29], $0x400, s26, $0x8   }
0x55: {  	p0 =	por $0x0, $0x0;
	_ =	swait.ge [sflag:s15], $0x400  }
0x56: {  	s8 =	simm.s32 @!p0 $0x100;
	[sflag:s15] =	ssyncset.done $0x0  }
0x57: {  	s9 =	simm.s32 @!p0 $0x80;
	s7 =	simm.s32 @!p0 $0x4B80;
	[sflag:s15] =	ssyncadd.s32 $0xFFFFFC00  }
0x58: {  	[tilespmem:s7], [sflag:$0x1] =	stream.indirect.gather @!p0 [hbm4b:s5+s9], $0x40, s8, s9, $0xb8;
	[tilespmem:$0x12B80] =	vst v63  }
0x59: {  	s7 =	simm.s32 @!p0 $0x1A00;
	s8 =	simm.s32 @!p0 $0x6B80  }
0x5a: {  	[tilespmem:s8], [sflag:$0x1] =	stream.indirect.gather @!p0 [hbm4b:s2+s9], $0x40, s7, s9, $0xb8;
	[tilespmem:$0x12B80] =	vst v63  }
0x5b: {  	s7 =	simm.s32 @!p0 $0x3300;
	s8 =	simm.s32 @!p0 $0x8B80  }
0x5c: {  	[tilespmem:s8], [sflag:$0x1] =	stream.indirect.gather @!p0 [hbm4b:s6+s9], $0x40, s7, s9, $0xb8;
	[tilespmem:$0x12B80] =	vst v63  }
0x5d: {  	_ =	swait.ge [sflag:s30], $0x2000  }
0x5e: {  	[sflag:s30] =	ssyncset.done $0x0  }
0x5f: {  	[sflag:s30] =	ssyncadd.s32 $0xFFFFE000  }
0x60: {  	_ =	swait.ge [sflag:s30], $0x2000  }
0x61: {  	[sflag:s30] =	ssyncset.done $0x0  }
0x62: {  	[sflag:s30] =	ssyncadd.s32 $0xFFFFE000  }
0x63: {  	_ =	swait.ge [sflag:s30], $0x2000  }
0x64: {  	[sflag:s30] =	ssyncset.done $0x0  }
0x65: {  	[sflag:s30] =	ssyncadd.s32 $0xFFFFE000  }
0x66: {  	[spmem:s11] =	stream.linear.scatter [tilespmem:s23], [sflag:$0x3], $0x2000, $0x38;
	[tilespmem:$0x12B80] =	vst v63  }
0x67: {  	_ =	swait.ge [sflag:s15], $0x2000  }
0x68: {  	[sflag:s15] =	ssyncset.done $0x0  }
0x69: {  	[sflag:s15] =	ssyncadd.s32 $0xFFFFE000  }
0x6a: {  	[spmem:s3] =	stream.indirect.scatter.add.f32 [tilespmem:s24], [sflag:$0x3], $0x40, s18, s19, $0xb8;
	[tilespmem:$0x12B80] =	vst v63  }
0x6b: {  	_ =	swait.ge [sflag:s15], $0x2000  }
0x6c: {  	[sflag:s15] =	ssyncset.done $0x0  }
0x6d: {  	[sflag:s15] =	ssyncadd.s32 $0xFFFFE000  }
0x6e: {  	[spmem:s3] =	stream.indirect.scatter.add.f32 [tilespmem:s25], [sflag:$0x3], $0x40, s18, s19, $0xb8;
	[tilespmem:$0x12B80] =	vst v63  }
0x6f: {  	_ =	swait.ge [sflag:s15], $0x2000  }
0x70: {  	s10 =	simm.s32 $0x400;
	[sflag:s15] =	ssyncset.done $0x0  }
0x71: {  	s12 =	simm.s32 $0x800;
	s17 =	rddreg [dreg:$0xa];
	[sflag:s15] =	ssyncadd.s32 $0xFFFFE000  }
0x72: {  	[hbm:s17@s28], [sflag:s1] =	dma.strided [spmem:s0@s29], $0x400, s26, $0x8   }
0x73: {  	s8 =	simm.s32 $0x3;
	s9 =	sadd.s32 $0x1000, s16;
	_ =	swait.ge [sflag:s15], $0x400  }
0x74: {  	s7 =	sadd.s32 $0x1000, s17;
	s17 =	simm.s32 $0x100;
	[sflag:s15] =	ssyncset.done $0x0  }
.LBB2_2:
0x75: {  	s13 =	sadd.s32 $0x80, s17  }
0x76: {  	[sflag:s15] =	ssyncadd.s32 $0xFFFFFC00;
	s16 =	smov.u32 s12;
	s12 =	sadd.s32 $0x400, s12  }
0x77: {  	[tilespmem:s23], [sflag:$0x2] =	stream.indirect.gather [hbm4b:s5+s19], $0x40, s13, s19, $0xb8;
	[tilespmem:$0x12B80] =	vst v63  }
0x78: {  	p0 =	sne.s32 s12, $0x6400;
	s13 =	sadd.s32 $0x1980, s17  }
0x79: {  	[tilespmem:s24], [sflag:$0x2] =	stream.indirect.gather [hbm4b:s2+s19], $0x40, s13, s19, $0xb8;
	[tilespmem:$0x12B80] =	vst v63  }
0x7a: {  	s13 =	sadd.s32 $0x3280, s17  }
0x7b: {  	[tilespmem:s25], [sflag:$0x2] =	stream.indirect.gather [hbm4b:s6+s19], $0x40, s13, s19, $0xb8;
	[tilespmem:$0x12B80] =	vst v63  }
0x7c: {  	_ =	swait.ge [sflag:s26], $0x2000  }
0x7d: {  	[sflag:s26] =	ssyncset.done $0x0  }
0x7e: {  	[sflag:s26] =	ssyncadd.s32 $0xFFFFE000  }
0x7f: {  	_ =	swait.ge [sflag:s26], $0x2000  }
0x80: {  	[sflag:s26] =	ssyncset.done $0x0  }
0x81: {  	[sflag:s26] =	ssyncadd.s32 $0xFFFFE000  }
0x82: {  	_ =	swait.ge [sflag:s26], $0x2000  }
0x83: {  	[sflag:s26] =	ssyncset.done $0x0  }
0x84: {  	[sflag:s26] =	ssyncadd.s32 $0xFFFFE000  }
0x85: {  	[spmem:s11] =	stream.linear.scatter [tilespmem:s20], [sflag:$0x3], $0x2000, $0x38;
	[tilespmem:$0x12B80] =	vst v63  }
0x86: {  	_ =	swait.ge [sflag:s15], $0x2000  }
0x87: {  	[sflag:s15] =	ssyncset.done $0x0  }
0x88: {  	[sflag:s15] =	ssyncadd.s32 $0xFFFFE000  }
0x89: {  	[spmem:s3] =	stream.indirect.scatter.add.f32 [tilespmem:s21], [sflag:$0x3], $0x40, s18, s19, $0xb8;
	[tilespmem:$0x12B80] =	vst v63  }
0x8a: {  	_ =	swait.ge [sflag:s15], $0x2000  }
0x8b: {  	[sflag:s15] =	ssyncset.done $0x0  }
0x8c: {  	[sflag:s15] =	ssyncadd.s32 $0xFFFFE000  }
0x8d: {  	[spmem:s3] =	stream.indirect.scatter.add.f32 [tilespmem:s22], [sflag:$0x3], $0x40, s18, s19, $0xb8;
	[tilespmem:$0x12B80] =	vst v63  }
0x8e: {  	_ =	swait.ge [sflag:s15], $0x2000  }
0x8f: {  	[sflag:s15] =	ssyncset.done $0x0  }
0x90: {  	[sflag:s15] =	ssyncadd.s32 $0xFFFFE000  }
0x91: {  	[hbm:s9@s28], [sflag:s1] =	dma.strided [spmem:s0@s29], $0x400, s26, $0x8   }
0x92: {  	p1 =	sgt.u32 s8, $0x30;
	_ =	swait.ge [sflag:s15], $0x400  }
0x93: {  	s10 =	sshra.s32 @!p1 s10, $0x2;
	s13 =	simm.s32 @!p1 $0x4B80;
	[sflag:s15] =	ssyncset.done $0x0  }
0x94: {  	s14 =	simm.s32 @!p1 $0x80;
	s17 =	sadd.s32 @!p1 $0x100, s10;
	[sflag:s15] =	ssyncadd.s32 $0xFFFFFC00  }
0x95: {  	[tilespmem:s13], [sflag:$0x1] =	stream.indirect.gather @!p1 [hbm4b:s5+s14], $0x40, s17, s14, $0xb8;
	[tilespmem:$0x12B80] =	vst v63  }
0x96: {  	s4 =	sadd.s32 @!p1 $0x3300, s10;
	s13 =	sadd.s32 @!p1 $0x1A00, s10;
	s17 =	simm.s32 @!p1 $0x6B80  }
0x97: {  	[tilespmem:s17], [sflag:$0x1] =	stream.indirect.gather @!p1 [hbm4b:s2+s14], $0x40, s13, s14, $0xb8;
	[tilespmem:$0x12B80] =	vst v63  }
0x98: {  	s10 =	smov.u32 s16;
	s13 =	simm.s32 @!p1 $0x8B80  }
0x99: {  	[tilespmem:s13], [sflag:$0x1] =	stream.indirect.gather @!p1 [hbm4b:s6+s14], $0x40, s4, s14, $0xb8;
	[tilespmem:$0x12B80] =	vst v63  }
0x9a: {  	_ =	swait.ge [sflag:s30], $0x2000  }
0x9b: {  	[sflag:s30] =	ssyncset.done $0x0  }
0x9c: {  	[sflag:s30] =	ssyncadd.s32 $0xFFFFE000  }
0x9d: {  	_ =	swait.ge [sflag:s30], $0x2000  }
0x9e: {  	[sflag:s30] =	ssyncset.done $0x0  }
0x9f: {  	[sflag:s30] =	ssyncadd.s32 $0xFFFFE000  }
0xa0: {  	_ =	swait.ge [sflag:s30], $0x2000  }
0xa1: {  	[sflag:s30] =	ssyncset.done $0x0  }
0xa2: {  	[sflag:s30] =	ssyncadd.s32 $0xFFFFE000  }
0xa3: {  	[spmem:s11] =	stream.linear.scatter [tilespmem:s23], [sflag:$0x3], $0x2000, $0x38;
	[tilespmem:$0x12B80] =	vst v63  }
0xa4: {  	_ =	swait.ge [sflag:s15], $0x2000  }
0xa5: {  	[sflag:s15] =	ssyncset.done $0x0  }
0xa6: {  	[sflag:s15] =	ssyncadd.s32 $0xFFFFE000  }
0xa7: {  	[spmem:s3] =	stream.indirect.scatter.add.f32 [tilespmem:s24], [sflag:$0x3], $0x40, s18, s19, $0xb8;
	[tilespmem:$0x12B80] =	vst v63  }
0xa8: {  	_ =	swait.ge [sflag:s15], $0x2000  }
0xa9: {  	[sflag:s15] =	ssyncset.done $0x0  }
0xaa: {  	[sflag:s15] =	ssyncadd.s32 $0xFFFFE000  }
0xab: {  	[spmem:s3] =	stream.indirect.scatter.add.f32 [tilespmem:s25], [sflag:$0x3], $0x40, s18, s19, $0xb8;
	[tilespmem:$0x12B80] =	vst v63  }
0xac: {  	_ =	swait.ge [sflag:s15], $0x2000  }
.Ltmp0:
0xad: {  	[sflag:s15] =	ssyncset.done $0x0;
	(pc) =	sbr.rel @p0 .LBB2_2-.Ltmp0, $4  }
0xae: {  	[sflag:s15] =	ssyncadd.s32 $0xFFFFE000  }
0xaf: {  	[hbm:s7@s28], [sflag:s1] =	dma.strided [spmem:s0@s29], $0x400, s26, $0x8   }
0xb0: {  	s8 =	sadd.s32 $0x2, s8;
	s7 =	sadd.s32 $0x1000, s7;
	_ =	swait.ge [sflag:s15], $0x400  }
0xb1: {  	s9 =	sadd.s32 $0x1000, s9;
	s17 =	sshra.s32 s10, $0x2;
	[sflag:s15] =	ssyncset.done $0x0  }
0xb2: {  	s4 =	sadd.s32 $0x80, s17;
	[sflag:s15] =	ssyncadd.s32 $0xFFFFFC00  }
0xb3: {  	[tilespmem:s23], [sflag:$0x2] =	stream.indirect.gather [hbm4b:s5+s19], $0x40, s4, s19, $0xb8;
	[tilespmem:$0x12B80] =	vst v63  }
0xb4: {  	s14 =	sadd.s32 $0x1980, s17  }
0xb5: {  	[tilespmem:s24], [sflag:$0x2] =	stream.indirect.gather [hbm4b:s2+s19], $0x40, s14, s19, $0xb8;
	[tilespmem:$0x12B80] =	vst v63  }
0xb6: {  	s16 =	sadd.s32 $0x3280, s17  }
0xb7: {  	[tilespmem:s25], [sflag:$0x2] =	stream.indirect.gather [hbm4b:s6+s19], $0x40, s16, s19, $0xb8;
	[tilespmem:$0x12B80] =	vst v63  }
0xb8: {  	_ =	swait.ge [sflag:s26], $0x2000  }
0xb9: {  	[sflag:s26] =	ssyncset.done $0x0  }
0xba: {  	[sflag:s26] =	ssyncadd.s32 $0xFFFFE000  }
0xbb: {  	_ =	swait.ge [sflag:s26], $0x2000  }
0xbc: {  	[sflag:s26] =	ssyncset.done $0x0  }
0xbd: {  	[sflag:s26] =	ssyncadd.s32 $0xFFFFE000  }
0xbe: {  	_ =	swait.ge [sflag:s26], $0x2000  }
0xbf: {  	[sflag:s26] =	ssyncset.done $0x0  }
0xc0: {  	[sflag:s26] =	ssyncadd.s32 $0xFFFFE000  }
0xc1: {  	[spmem:s11] =	stream.linear.scatter [tilespmem:s20], [sflag:$0x3], $0x2000, $0x38;
	[tilespmem:$0x12B80] =	vst v63  }
0xc2: {  	_ =	swait.ge [sflag:s15], $0x2000  }
0xc3: {  	[sflag:s15] =	ssyncset.done $0x0  }
0xc4: {  	[sflag:s15] =	ssyncadd.s32 $0xFFFFE000  }
0xc5: {  	[spmem:s3] =	stream.indirect.scatter.add.f32 [tilespmem:s21], [sflag:$0x3], $0x40, s18, s19, $0xb8;
	[tilespmem:$0x12B80] =	vst v63  }
0xc6: {  	_ =	swait.ge [sflag:s15], $0x2000  }
0xc7: {  	[sflag:s15] =	ssyncset.done $0x0  }
0xc8: {  	[sflag:s15] =	ssyncadd.s32 $0xFFFFE000  }
0xc9: {  	[spmem:s3] =	stream.indirect.scatter.add.f32 [tilespmem:s22], [sflag:$0x3], $0x40, s18, s19, $0xb8;
	[tilespmem:$0x12B80] =	vst v63  }
0xca: {  	_ =	swait.ge [sflag:s15], $0x2000  }
0xcb: {  	[sflag:s15] =	ssyncset.done $0x0  }
0xcc: {  	[sflag:s15] =	ssyncadd.s32 $0xFFFFE000  }
0xcd: {  	[hbm:s9@s28], [sflag:s1] =	dma.strided [spmem:s0@s29], $0x400, s26, $0x8   }
0xce: {  	p0 =	sgt.u32 s8, $0x30;
	_ =	swait.ge [sflag:s15], $0x400  }
0xcf: {  	s4 =	sshra.s32 @!p0 s10, $0x2;
	s8 =	simm.s32 @!p0 $0x4B80;
	[sflag:s15] =	ssyncset.done $0x0  }
0xd0: {  	s10 =	simm.s32 @!p0 $0x80;
	s9 =	sadd.s32 @!p0 $0x100, s4;
	[sflag:s15] =	ssyncadd.s32 $0xFFFFFC00  }
0xd1: {  	[tilespmem:s8], [sflag:$0x1] =	stream.indirect.gather @!p0 [hbm4b:s5+s10], $0x40, s9, s10, $0xb8;
	[tilespmem:$0x12B80] =	vst v63  }
0xd2: {  	s8 =	sadd.s32 @!p0 $0x1A00, s4;
	s9 =	simm.s32 @!p0 $0x6B80  }
0xd3: {  	[tilespmem:s9], [sflag:$0x1] =	stream.indirect.gather @!p0 [hbm4b:s2+s10], $0x40, s8, s10, $0xb8;
	[tilespmem:$0x12B80] =	vst v63  }
0xd4: {  	s4 =	sadd.s32 @!p0 $0x3300, s4;
	s8 =	simm.s32 @!p0 $0x8B80  }
0xd5: {  	[tilespmem:s8], [sflag:$0x1] =	stream.indirect.gather @!p0 [hbm4b:s6+s10], $0x40, s4, s10, $0xb8;
	[tilespmem:$0x12B80] =	vst v63  }
0xd6: {  	_ =	swait.ge [sflag:s30], $0x2000  }
0xd7: {  	[sflag:s30] =	ssyncset.done $0x0  }
0xd8: {  	[sflag:s30] =	ssyncadd.s32 $0xFFFFE000  }
0xd9: {  	_ =	swait.ge [sflag:s30], $0x2000  }
0xda: {  	[sflag:s30] =	ssyncset.done $0x0  }
0xdb: {  	[sflag:s30] =	ssyncadd.s32 $0xFFFFE000  }
0xdc: {  	_ =	swait.ge [sflag:s30], $0x2000  }
0xdd: {  	[sflag:s30] =	ssyncset.done $0x0  }
0xde: {  	[sflag:s30] =	ssyncadd.s32 $0xFFFFE000  }
0xdf: {  	[spmem:s11] =	stream.linear.scatter [tilespmem:s23], [sflag:$0x3], $0x2000, $0x38;
	[tilespmem:$0x12B80] =	vst v63  }
0xe0: {  	_ =	swait.ge [sflag:s15], $0x2000  }
0xe1: {  	[sflag:s15] =	ssyncset.done $0x0  }
0xe2: {  	[sflag:s15] =	ssyncadd.s32 $0xFFFFE000  }
0xe3: {  	[spmem:s3] =	stream.indirect.scatter.add.f32 [tilespmem:s24], [sflag:$0x3], $0x40, s18, s19, $0xb8;
	[tilespmem:$0x12B80] =	vst v63  }
0xe4: {  	_ =	swait.ge [sflag:s15], $0x2000  }
0xe5: {  	[sflag:s15] =	ssyncset.done $0x0  }
0xe6: {  	[sflag:s15] =	ssyncadd.s32 $0xFFFFE000  }
0xe7: {  	[spmem:s3] =	stream.indirect.scatter.add.f32 [tilespmem:s25], [sflag:$0x3], $0x40, s18, s19, $0xb8;
	[tilespmem:$0x12B80] =	vst v63  }
0xe8: {  	_ =	swait.ge [sflag:s15], $0x2000  }
0xe9: {  	[sflag:s15] =	ssyncset.done $0x0  }
0xea: {  	[sflag:s15] =	ssyncadd.s32 $0xFFFFE000  }
0xeb: {  	[hbm:s7@s28], [sflag:s1] =	dma.strided [spmem:s0@s29], $0x400, s26, $0x8   }
0xec: {  	_ =	swait.ge [sflag:s15], $0x400  }
0xed: {  	s31 =	sadd.s32 $0x1, s31;
	s17 =	rddreg [dreg:$0x8]  }
0xee: {  	p0 =	sne.s32 s31, s17  }
.Ltmp1:
0xef: {  	_ = 	snop;
	(pc) =	sbr.rel @p0 .LBB2_1-.Ltmp1, $3  }
0xf0: {  	_ =	sdelay $0x1  }
0xf1: {  	[sflag:s15] =	ssyncset.done $0x0  }
0xf2: {  	[sflag:s15] =	ssyncadd.s32 $0xFFFFFC00  }
0xf3: {  	_ =	sfence.sel $0x180000  }
0xf4: {  	[bflag:$0x0] =	sbarrier.arrive $0xFFFF  }
0xf5: {  	_ =	strace $0x90000047  }
0xf6: {  	s0 =	stileid.u32;
	[bflag:$0x2] =	sbarrier.arrive $0xFFFF  }
0xf7: {  	p0 =	sne.s32 s0, $0x0;
	s0 =	rddreg [dreg:$0x3]  }
0xf8: {  	s0 =	sadd.s32 @!p0 $0x100000, s0  }
0xf9: {  	[sflag:s0] =	ssyncadd.tile.s32 @!p0 $0x1;
	_ =	shalt  }
.Lfunc_end2:
_tile_overlayer_lowered:
.L_overlay_start_2:
0xfa: {  	(tag) =	ssettag $0x2  }
0xfb: {  	s0 =	rddreg [dreg:$0x0];
	s2 =	stileid.u32  }
0xfc: {  	s1 =	rddreg [dreg:$0x1];
	p0 =	sne.s32 s2, $0x0  }
0xfd: {  	s3 =	rddreg [dreg:$0x2];
	[bflag:$0x3] =	sbarrier.arrive $0xFFFF;
	s2 =	simm.s32 @!p0 $0x1C03  }
0xfe: {  	[timem:s3], [sflag:s2] =	dma.local @!p0 [hbm:s0], s1  }
0xff: {  	s0 =	simm.s32 @!p0 $0x3  }
0x100: {  	_ =	swait.ge @!p0 [sflag:s0], s1  }
0x101: {  	s1 =	ssub.s32 @!p0 $0x0, s1;
	[sflag:s0] =	ssyncset.done @!p0 $0x0  }
0x102: {  	[sflag:s0] =	ssyncadd.s32 @!p0 s1  }
0x103: {  	[bflag:$0x3] =	sbarrier.arrive $0xFFFF  }
0x104: {  	_ =	shalt  }

// kernel: sparse-core-data-format-call.cloned.1.call-start
scs
called_computation_lowered:
.L_overlay_start_0:
0x0: {  	s2 =	sld [smem:$0x3FD9]  }
0x1: {  	s3 =	sld [smem:$0x3FFE];
	_ =	sdelay $0x1  }
0x2: {  	s1 =	srdreg.scid  }
0x3: {  	s0 =	sand.u32 $0x1, s1  }
0x4: {  	s18 =	sshll.u32 s0, $0xA;
	s2 =	sadd.s32 s3, s2  }
0x5: {  	s2 =	sadd.s32 s2, s18  }
0x6: {  	[smem:$0x3FAE] =	sst s2  }
0x7: {  	_ = 	snop  }
0x8: {  	s2 =	sld [smem:$0x3FD0];
	(tm) =	ssettm $0x1  }
0x9: {  	s19 =	sld [smem:$0x3FFB];
	_ =	sdelay $0x3  }
0xa: {  	_ =	strace s19  }
0xb: {  	s3 =	sld [smem:$0x3FFC];
	_ =	sdelay $0x3  }
0xc: {  	_ =	strace s3  }
0xd: {  	s3 =	sld [smem:$0x3FFD];
	_ =	sdelay $0x3  }
0xe: {  	_ =	strace s3  }
0xf: {  	_ =	strace $0x8FFFFFFF  }
0x10: {  	s20 =	sld [smem:$0x3FDB];
	_ =	sdelay $0x1  }
0x11: {  	s4 =	simm.s32 $_scs_section_size  }
0x12: {  	s5 =	simm.s32 $_size__tile_overlayer_lowered;
	s6 =	simm.s32 $_tile_overlayer_lowered  }
0x13: {  	s23 =	simm.s32 $0x1BFF;
	s22 =	sshll.u32 s6, $0x1;
	s3 =	sadd.s32 s4, s20  }
0x14: {  	s7 =	simm.s32 $0x0;
	s21 =	sshll.u32 s5, $0x1;
	s5 =	sadd.s32 s22, s3  }
0x15: {  	[timem:s7], [sflag:s23] =	dma.local [hbm:s5], s21  }
0x16: {  	_ =	swait.ge [sflag:s23], s21  }
0x17: {  	s4 =	ssub.s32 $0x0, s21;
	[sflag:s23] =	ssyncset.done $0x0  }
0x18: {  	[sflag:s23] =	ssyncadd.s32 s4;
	_ =	sdelay $0x1  }
0x19: {  	s24 =	simm.s32 $0x1B8B  }
0x1a: {  	_ =	swait.ge [sflag:s24], $0x1  }
0x1b: {  	[sflag:s24] =	ssyncset.done $0x0  }
0x1c: {  	s26 =	simm.s32 $0x1B8E;
	s25 =	sld [smem:$0x3FFE];
	[sflag:s24] =	ssyncadd.s32 $0xFFFFFFFF  }
0x1d: {  	s27 =	simm.s32 $execute0_lowered;
	[smem:$0x3FD2] =	sst s26  }
0x1e: {  	s5 =	sshll.u32 s27, $0x1;
	_ =	strace $0x80000049;
	[dreg:$0x1] =	wrdreg $0xFFFFFFFF  }
0x1f: {  	s28 =	simm.s32 $_size_execute0_lowered;
	s3 =	sadd.s32 s3, s5;
	[dreg:$0x0] =	wrdreg $0x0  }
0x20: {  	s5 =	sshll.u32 s28, $0x1;
	[dreg:$0x2] =	wrdreg s3  }
0x21: {  	[dreg:$0x3] =	wrdreg s5  }
0x22: {  	[dreg:$0x4] =	wrdreg $0xC0  }
0x23: {  	_ =	task [dreg:s7], $0x5FFFF  }
0x24: {  	[dreg:$0x1] =	wrdreg $0xFFFFFFFF  }
0x25: {  	[dreg:$0x0] =	wrdreg $0x60  }
0x26: {  	[dreg:$0x2] =	wrdreg s25  }
0x27: {  	[dreg:$0x3] =	wrdreg s2  }
0x28: {  	[dreg:$0x4] =	wrdreg $0x9  }
0x29: {  	_ =	task.clear_ibuf [dreg:s7], $0x5FFFF;
	_ =	strace $0x90000049  }
0x2a: {  	s29 =	simm.s32 $0x9;
	_ =	strace $0x8000004B  }
0x2b: {  	_ =	swait.ge [sflag:s29], $0x1  }
0x2c: {  	[sflag:s29] =	ssyncadd.s32 $0xFFFFFFFF  }
0x2d: {  	_ =	strace $0x9000004B  }
0x2e: {  	_ =	sfence  }
0x2f: {  	s30 =	sld [smem:$0x0];
	_ =	sdelay $0x2  }
0x30: {  	s31 =	sshll.u32 s1, $0xD;
	s1 =	sshrl.u32 s1, $0x2  }
0x31: {  	s3 =	sand.u32 $0x4000, s31;
	s1 =	sadd.s32 s1, s30  }
0x32: {  	s0 =	sor.u32 s3, s0;
	s1 =	sshll.u32 s1, $0x11  }
0x33: {  	s0 =	sor.u32 s1, s0  }
0x34: {  	s0 =	sadd.s32 $0x8F2B, s0  }
0x35: {  	[sflag:s0] =	ssyncadd.remote.s32 $0x1  }
0x36: {  	_ =	sfence.sel $0xFFFF  }
0x37: {  	[dreg:$0x0] =	wrdreg $0xFFFFFFFF;
	(pc) =	sbr.abs _section_cstart, $3  }
0x38: {  	[dreg:$0x1] =	wrdreg $0xFFFFFFFF  }
0x39: {  	_ =	task.clear_ibuf [dreg:s7], $0x2FFFF;
	_ =	strace $0x9FFFFFFF  }
0x3a: {  	(tm) =	ssettm $0x7FFFFFFF  }
0x3b: {  	_ =	shalt  }
tec
execute0_lowered:
.L_overlay_start_1:
0x0: {  	(tag) =	ssettag $0x1  }
0x1: {  	s0 =	stileid.u32;
	s6 =	rddreg [dreg:$0x0]  }
0x2: {  	s2 =	rddreg [dreg:$0x1];
	s5 =	srdreg.scid  }
0x3: {  	s31 =	simm.s32 $0x2;
	s13 =	simm.s32 $0x0;
	s1 =	sshll.u32 s0, $0x7  }
0x4: {  	s14 =	simm.s32 $0x0;
	s12 =	simm.s32 $0x0;
	s3 =	sand.u32 $0x380, s1  }
0x5: {  	s5 =	sshll.u32 s5, $0x4;
	s6 =	sadd.s32 $0x33BC00, s6;
	s4 =	ssub.s32 $0x400, s3  }
0x6: {  	s1 =	rddreg [dreg:$0x2];
	_ =	strace $0x8000004A;
	s7 =	sand.u32 $0x380, s4  }
0x7: {  	s5 =	sand.u32 $0x10, s5;
	p0 =	sne.s32 s7, $0x0;
	s7 =	simm.s32 $0x1  }
.Ltmp0:
0x8: {  	s8 =	sshrl.u32 s4, $0xA;
	s7 =	simm.s32 @!p0 $0x0;
	(pc) =	sbr.rel .LBB1_1-.Ltmp0, $4  }
0x9: {  	s9 =	sor.u32 s0, s5;
	s4 =	simm.s32 $0x1;
	s30 =	sadd.s32 s7, s8  }
0xa: {  	s11 =	smov.u32 s3;
	[sflag:s4] =	ssyncpa.u1 $0x0;
	s5 =	smul.u32 $0x32, s30  }
0xb: {  	[sflag:s31] =	ssyncpa.u1 $0x0;
	p0 =	por $0x0, $0x0;
	s7 =	sshrl.u32 s9, $0x3  }
0xc: {  	s9 =	simm.s32 $0x2000;
	s10 =	smov.u32 s7;
	s8 =	sor.u32 $0x1, s5  }
.LBB1_4:
0xd: {  	s17 =	sand.u32 $0x1F80, s14;
	s13 =	sshll.u32 s13, $0xD  }
0xe: {  	[tilespmem:s16+$0x810 ss:$0x81] =	vst.msk $0xffff, v2;
	s18 =	sshrl.u32 s14, $0x3;
	s31 =	sand.u32 $0x7, s14;
	s17 =	sadd.s32 s2, s17  }
0xf: {  	[tilespmem:s16+$0x1020 ss:$0x81] =	vst.msk $0xffff, v0;
	s18 =	sand.u32 $0xF, s18;
	s14 =	sshll.u32 s31, $0x12;
	s13 =	sadd.s32 s13, s17  }
0x10: {  	[tilespmem:s16+$0x0 ss:$0x81] =	vst.msk $0xffff, v1;
	s14 =	sor.u32 $0x400, s14;
	s13 =	sadd.s32 s18, s13  }
0x11: {  	[hbm4b:s13+s14] =	stream.strided.scatter [tilespmem:s15], [sflag:$0x2], $0x2000, s9, s14, $0x20;
	[tilespmem:$0x8080] =	vst v63  }
.LBB1_5:
0x12: {  	s15 =	sadd.s32 $0x4, s10  }
0x13: {  	s13 =	sadd.s32 $0x400, s11;
	s17 =	smov.u32 s11;
	p2 =	sgt.s32 s15, $0xC7  }
0x14: {  	s17 =	smov.u32 @p2 s13  }
0x15: {  	s15 =	smov.u32 @p2 s7;
	p2 =	sgt.s32 s17, $0x3FF  }
0x16: {  	s17 =	smov.u32 @p2 s3;
	p2 =	sne.s32 s12, s8  }
.Ltmp1:
0x17: {  	p1 =	slt.u32 s12, $0x2;
	(pc) =	sbr.rel @!p2 .LBB1_6-.Ltmp1, $4  }
0x18: {  	s16 =	simm.s32 @!p1 $0x2  }
0x19: {  	s14 =	smov.u32 s11;
	p0 =	por !p0, !p0;
	_ =	swait.ge @!p1 [sflag:s16], $0x2000  }
0x1a: {  	s13 =	smov.u32 s10;
	[sflag:s16] =	ssyncset.done @!p1 $0x0;
	s10 =	smov.u32 s15  }
0x1b: {  	s12 =	sadd.s32 $0x1, s12;
	[sflag:s16] =	ssyncadd.s32 @!p1 $0xFFFFE000;
	s11 =	smov.u32 s17  }
.LBB1_1:
0x1c: {  	p1 =	sge.u32 s12, s5  }
0x1d: {  	s15 =	sand.u32 @!p1 $0x1FFFFFF, s10  }
0x1e: {  	s16 =	smulhi.u32 @!p1 $0x147AE15, s15;
	_ =	sdelay $0x1  }
0x1f: {  	s16 =	smul.u32 @!p1 $0xC8, s16  }
0x20: {  	s17 =	sxor.u32 @!p1 $0xFFFFFFFF, s12;
	s18 =	smul.u32 @!p1 $0xC80, s11  }
0x21: {  	s31 =	sadd.s32 $0xFFFFFFFF, s12;
	s17 =	sshll.u32 @!p1 s17, $0xD;
	s15 =	ssub.s32 @!p1 s15, s16  }
0x22: {  	s16 =	sand.u32 @!p1 $0x2000, s17;
	s17 =	sadd.s32 @!p1 s6, s18;
	s15 =	sshll.u32 @!p1 s15, $0x4  }
0x23: {  	s18 =	simm.s32 @!p1 $0x6400;
	s15 =	sadd.s32 @!p1 s15, s17;
	s17 =	simm.s32 @!p1 $0x40  }
0x24: {  	[tilespmem:s16], [sflag:$0x1] =	stream.strided.gather @!p1 [hbm4b:s15+s17], $0x2000, s18, s17, $0x38;
	[tilespmem:$0x8080] =	vst v63  }
0x25: {  	p1 =	sge.u32 s31, s5  }
.Ltmp2:
0x26: {  	_ = 	snop;
	(pc) =	sbr.rel @p1 .LBB1_5-.Ltmp2, $1  }
0x27: {  	_ =	sdelay $0x3  }
0x28: {  	s15 =	simm.s32 $0x1  }
0x29: {  	_ =	swait.ge [sflag:s4], $0x2000;
	s15 =	simm.s32 @!p0 $0x0  }
0x2a: {  	[sflag:s4] =	ssyncset.done $0x0;
	s16 =	sshll.u32 s15, $0xD  }
0x2b: {  	[sflag:s4] =	ssyncadd.s32 $0xFFFFE000;
	s19 =	sor.u32 $0x20, s16  }
0x2c: {  	s15 =	smul.u32 $0x8100, s15;
	v3 =	vld [tilespmem:s19+$0x10]  }
0x2d: {  	s30 =	sand.u32 $0x1, s12;
	v2 =	vld [tilespmem:s19+$0xFFFFFFF0]  }
0x2e: {  	s16 =	smul.u32 $0x8100, s30;
	s15 =	sshrl.u32 s15, $0x2;
	v0 =	vld [tilespmem:s19+$0x0]  }
0x2f: {  	v1 =	vld [tilespmem:s19+$0xFFFFFFE0];
	s17 =	sor.u32 $0x4000, s15  }
0x30: {  	s31 =	sshrl.u32 s16, $0x2;
	s16 =	sadd.s32 $0x0, s17  }
0x31: {  	s18 =	simm.s32 $0x4;
	s19 =	sadd.s32 $0x40, s19;
	s15 =	sor.u32 $0x4000, s31;
	[tilespmem:s16+$0x1830 ss:$0x81] =	vst.msk $0xffff, v3  }
.LBB1_3:
0x32: {  	v3 =	vld [tilespmem:s19+$0x10];
	p1 =	sne.s32 s18, $0x1FC;
	[tilespmem:s16+$0x810 ss:$0x81] =	vst.msk $0xffff, v2;
	s20 =	smov.u32 s18;
	s18 =	sadd.s32 $0x4, s18  }
.Ltmp3:
0x33: {  	v2 =	vld [tilespmem:s19+$0xFFFFFFF0];
	[tilespmem:s16+$0x1020 ss:$0x81] =	vst.msk $0xffff, v0;
	(pc) =	sbr.rel @p1 .LBB1_3-.Ltmp3, $4  }
0x34: {  	v0 =	vld [tilespmem:s19+$0x0];
	[tilespmem:s16+$0x0 ss:$0x81] =	vst.msk $0xffff, v1  }
0x35: {  	s16 =	sshra.s32 s20, $0x2;
	v1 =	vld [tilespmem:s19+$0xFFFFFFE0]  }
0x36: {  	s16 =	sadd.s32 s16, s17  }
0x37: {  	s19 =	sadd.s32 $0x40, s19;
	[tilespmem:s16+$0x1830 ss:$0x81] =	vst.msk $0xffff, v3  }
.Ltmp4:
0x38: {  	_ = 	snop;
	(pc) =	sbr.rel .LBB1_4-.Ltmp4, $1  }
0x39: {  	_ =	sdelay $0x3  }
.LBB1_6:
0x3a: {  	_ =	sfence.sel $0x180000  }
0x3b: {  	s2 =	simm.s32 $0x1;
	[bflag:$0x0] =	sbarrier.arrive $0xFFFF  }
0x3c: {  	s31 =	simm.s32 $0x2;
	[sflag:s2] =	ssyncpa.u1 $0x1  }
0x3d: {  	[sflag:s31] =	ssyncpa.u1 $0x1  }
0x3e: {  	p0 =	sne.s32 s0, $0x0;
	_ =	strace $0x9000004A  }
0x3f: {  	s0 =	sadd.s32 @!p0 $0x100000, s1;
	[bflag:$0x2] =	sbarrier.arrive $0xFFFF  }
0x40: {  	[sflag:s0] =	ssyncadd.tile.s32 @!p0 $0x1;
	_ =	shalt  }
.Lfunc_end1:
_tile_overlayer_lowered:
.L_overlay_start_2:
0x41: {  	(tag) =	ssettag $0x2  }
0x42: {  	s0 =	rddreg [dreg:$0x0];
	s2 =	stileid.u32  }
0x43: {  	s1 =	rddreg [dreg:$0x1];
	p0 =	sne.s32 s2, $0x0  }
0x44: {  	s3 =	rddreg [dreg:$0x2];
	[bflag:$0x3] =	sbarrier.arrive $0xFFFF;
	s2 =	simm.s32 @!p0 $0x1C01  }
0x45: {  	[timem:s3], [sflag:s2] =	dma.local @!p0 [hbm:s0], s1  }
0x46: {  	s0 =	simm.s32 @!p0 $0x1  }
0x47: {  	_ =	swait.ge @!p0 [sflag:s0], s1  }
0x48: {  	s1 =	ssub.s32 @!p0 $0x0, s1;
	[sflag:s0] =	ssyncset.done @!p0 $0x0  }
0x49: {  	[sflag:s0] =	ssyncadd.s32 @!p0 s1  }
0x4a: {  	[bflag:$0x3] =	sbarrier.arrive $0xFFFF  }
0x4b: {  	_ =	shalt  }

</sc_bundles>
